<compile_context>
chip_gen: v7x
topology: tpu7x:2x2x1
jax: 0.10.2.dev20260603
libtpu: 0.0.44.dev20260713+nightly
codegen_flags: <defaults>
</compile_context>

<pallas_src>
import functools

import jax
import jax.numpy as jnp
from jax import lax
from jax.experimental import pallas as pl
from jax.experimental.pallas import tpu as pltpu
from jax.experimental.pallas import tpu_sc as plsc

_NC = 2
_NS = 16
_CHUNK = 128



def _phase_a_call(src, dst, ea_pad, tbl, zeros16, n_nodes, n_edges, edim):
    n_chunks = n_edges // _CHUNK
    n_workers = _NC * _NS
    cb, crem = n_chunks // n_workers, n_chunks % n_workers
    mesh = plsc.VectorSubcoreMesh(core_axis_name="c", subcore_axis_name="s")

    @functools.partial(
        pl.kernel,
        mesh=mesh,
        out_type=[jax.ShapeDtypeStruct((n_nodes, 16), jnp.float32)] * 2,
        compiler_params=pltpu.CompilerParams(use_tc_tiling_on_sc=False),
        scratch_types=[
            pltpu.VMEM((_CHUNK,), jnp.int32),
            pltpu.VMEM((_CHUNK,), jnp.int32),
            pltpu.VMEM((_CHUNK, 16), jnp.float32),
            pltpu.VMEM((_CHUNK, 16), jnp.float32),
            pltpu.VMEM_SHARED((n_nodes, 16), jnp.float32),
            pltpu.VMEM_SHARED((n_nodes, 16), jnp.float32),
            pltpu.SemaphoreType.DMA,
        ],
    )
    def k(src_h, dst_h, ea_h, tbl_h, z_h, out0, out1, srcb, dstb, rows, rows2,
          accum, tbl_s, sem):
        c = lax.axis_index("c")
        s = lax.axis_index("s")
        gwid = s * _NC + c

        @pl.when(s == 0)
        def _zero():
            pltpu.sync_copy(z_h, accum)

        @pl.when(s == 1)
        def _stage():
            pltpu.sync_copy(tbl_h, tbl_s)

        plsc.subcore_barrier()

        def chunk(i, carry):
            base = (i * n_workers + gwid) * _CHUNK
            pltpu.sync_copy(src_h.at[pl.ds(base, _CHUNK)], srcb)
            pltpu.sync_copy(dst_h.at[pl.ds(base, _CHUNK)], dstb)
            pltpu.sync_copy(ea_h.at[pl.ds(base, _CHUNK)], rows)
            pltpu.async_copy(tbl_s.at[srcb], rows2, sem).wait()
            pltpu.sync_copy(rows, accum.at[dstb], add=True)
            pltpu.sync_copy(rows2, accum.at[dstb], add=True)
            return carry

        lax.fori_loop(0, cb + (gwid < crem).astype(jnp.int32), chunk, 0)
        plsc.subcore_barrier()

        @pl.when(jnp.logical_and(s == 0, c == 0))
        def _out0():
            pltpu.sync_copy(accum, out0)

        @pl.when(jnp.logical_and(s == 0, c == 1))
        def _out1():
            pltpu.sync_copy(accum, out1)

    return k(src, dst, ea_pad, tbl, zeros16)


def _phase_b_call(src, dst, h, zeros_h, n_nodes, n_edges, hdim):
    n_chunks = n_edges // _CHUNK
    n_workers = _NC * _NS
    cb, crem = n_chunks // n_workers, n_chunks % n_workers
    mesh = plsc.VectorSubcoreMesh(core_axis_name="c", subcore_axis_name="s")

    @functools.partial(
        pl.kernel,
        mesh=mesh,
        out_type=[jax.ShapeDtypeStruct((n_nodes, hdim), jnp.float32)] * 2,
        scratch_types=[
            pltpu.VMEM((_CHUNK,), jnp.int32),
            pltpu.VMEM((_CHUNK,), jnp.int32),
            pltpu.VMEM((_CHUNK, hdim), jnp.float32),
            pltpu.VMEM_SHARED((n_nodes, hdim), jnp.float32),
            pltpu.SemaphoreType.DMA,
        ],
    )
    def k(src_h, dst_h, h_h, z_h, out0, out1, srcb, dstb, rows, accum, sem):
        c = lax.axis_index("c")
        s = lax.axis_index("s")
        gwid = s * _NC + c

        @pl.when(s == 0)
        def _zero():
            pltpu.sync_copy(z_h, accum)

        plsc.subcore_barrier()

        def chunk(i, carry):
            base = (i * n_workers + gwid) * _CHUNK
            pltpu.sync_copy(src_h.at[pl.ds(base, _CHUNK)], srcb)
            pltpu.sync_copy(dst_h.at[pl.ds(base, _CHUNK)], dstb)
            pltpu.async_copy(h_h.at[srcb], rows, sem).wait()
            pltpu.sync_copy(rows, accum.at[dstb], add=True)
            return carry

        lax.fori_loop(0, cb + (gwid < crem).astype(jnp.int32), chunk, 0)
        plsc.subcore_barrier()

        @pl.when(jnp.logical_and(s == 0, c == 0))
        def _out0():
            pltpu.sync_copy(accum, out0)

        @pl.when(jnp.logical_and(s == 0, c == 1))
        def _out1():
            pltpu.sync_copy(accum, out1)

    return k(src, dst, h, zeros_h)



_ROWS = 1000


def _front0_body(edim, hdim, pa0, pa1, xc, slr, emb, we, be, w1, b1,
                 z_ref, sadj_ref, st_ref):
    i = pl.program_id(0)
    s_adj = pa0[...] + pa1[...] + slr[...]
    sadj_ref[...] = s_adj
    w1a = w1[0:hdim, :]
    w1b = w1[hdim : 2 * hdim, :]
    memb = jnp.dot(emb[...], w1a, preferred_element_type=jnp.float32)
    q_ea = jnp.dot(we[...], w1b, preferred_element_type=jnp.float32)
    q_cnt = memb[1:2, :] - memb[0:1, :]
    q_deg = memb[0:1, :] + jnp.dot(be[...], w1b, preferred_element_type=jnp.float32)
    pad = jnp.zeros((16 - edim - 2, w1.shape[1]), jnp.float32)
    q = jnp.concatenate([q_ea, q_cnt, q_deg, pad], axis=0)
    z = jnp.dot(s_adj, q, preferred_element_type=jnp.float32)
    z = z + xc[...] * q_cnt + b1[...]
    z_ref[...] = z

    @pl.when(i == 0)
    def _():
        st_ref[...] = jnp.zeros_like(st_ref)

    st_ref[0:1, :] += jnp.sum(z, axis=0, keepdims=True)
    st_ref[1:2, :] += jnp.sum(z * z, axis=0, keepdims=True)


def _front1_body(edim, hdim, pb0, pb1, hblk, sadj, we, be, w1, b1,
                 z_ref, st_ref):
    i = pl.program_id(0)
    sh = pb0[...] + pb1[...] + hblk[...]
    w1a = w1[0:hdim, :]
    w1b = w1[hdim : 2 * hdim, :]
    t_ea = jnp.dot(we[...], w1b, preferred_element_type=jnp.float32)
    t_deg = jnp.dot(be[...], w1b, preferred_element_type=jnp.float32)
    zrow = jnp.zeros((1, w1.shape[1]), jnp.float32)
    pad = jnp.zeros((16 - edim - 2, w1.shape[1]), jnp.float32)
    t = jnp.concatenate([t_ea, zrow, t_deg, pad], axis=0)
    z = jnp.dot(sh, w1a, preferred_element_type=jnp.float32)
    z = z + jnp.dot(sadj[...], t, preferred_element_type=jnp.float32) + b1[...]
    z_ref[...] = z

    @pl.when(i == 0)
    def _():
        st_ref[...] = jnp.zeros_like(st_ref)

    st_ref[0:1, :] += jnp.sum(z, axis=0, keepdims=True)
    st_ref[1:2, :] += jnp.sum(z * z, axis=0, keepdims=True)


def _back_body(n_nodes, final_relu, z, st, gamma, beta, w2, b2, out_ref):
    inv_n = 1.0 / n_nodes
    mean = st[0:1, :] * inv_n
    var = st[1:2, :] * inv_n - mean * mean
    inv = lax.rsqrt(var + 1e-5)
    zn = (z[...] - mean) * inv * gamma[...] + beta[...]
    a = jnp.maximum(zn, 0.0)
    o = jnp.dot(a, w2[...], preferred_element_type=jnp.float32) + b2[...]
    if final_relu:
        o = jnp.maximum(o, 0.0)
    out_ref[...] = o


def _tc_front0(pa0, pa1, x_col, sl_row, emb, we, be, w1, b1, n_nodes, edim, hdim):
    grid = (n_nodes // _ROWS,)
    h2 = 2 * hdim
    blk = lambda r, k: pl.BlockSpec((r, k), lambda b: (b, 0))
    fix = lambda r, k: pl.BlockSpec((r, k), lambda b: (0, 0))
    return pl.pallas_call(
        functools.partial(_front0_body, edim, hdim),
        grid=grid,
        in_specs=[
            blk(_ROWS, 16), blk(_ROWS, 16), blk(_ROWS, 1), fix(1, 16),
            fix(2, hdim), fix(edim, hdim), fix(1, hdim), fix(h2, h2), fix(1, h2),
        ],
        out_specs=[blk(_ROWS, h2), blk(_ROWS, 16), fix(8, h2)],
        out_shape=[
            jax.ShapeDtypeStruct((n_nodes, h2), jnp.float32),
            jax.ShapeDtypeStruct((n_nodes, 16), jnp.float32),
            jax.ShapeDtypeStruct((8, h2), jnp.float32),
        ],
    )(pa0, pa1, x_col, sl_row, emb, we, be, w1, b1)


def _tc_front1(pb0, pb1, h, sadj, we, be, w1, b1, n_nodes, edim, hdim):
    grid = (n_nodes // _ROWS,)
    h2 = 2 * hdim
    blk = lambda r, k: pl.BlockSpec((r, k), lambda b: (b, 0))
    fix = lambda r, k: pl.BlockSpec((r, k), lambda b: (0, 0))
    return pl.pallas_call(
        functools.partial(_front1_body, edim, hdim),
        grid=grid,
        in_specs=[
            blk(_ROWS, hdim), blk(_ROWS, hdim), blk(_ROWS, hdim), blk(_ROWS, 16),
            fix(edim, hdim), fix(1, hdim), fix(h2, h2), fix(1, h2),
        ],
        out_specs=[blk(_ROWS, h2), fix(8, h2)],
        out_shape=[
            jax.ShapeDtypeStruct((n_nodes, h2), jnp.float32),
            jax.ShapeDtypeStruct((8, h2), jnp.float32),
        ],
    )(pb0, pb1, h, sadj, we, be, w1, b1)


def _tc_back(z, st, gamma, beta, w2, b2, n_nodes, hdim, final_relu):
    grid = (n_nodes // _ROWS,)
    h2 = 2 * hdim
    blk = lambda r, k: pl.BlockSpec((r, k), lambda b: (b, 0))
    fix = lambda r, k: pl.BlockSpec((r, k), lambda b: (0, 0))
    return pl.pallas_call(
        functools.partial(_back_body, n_nodes, final_relu),
        grid=grid,
        in_specs=[
            blk(_ROWS, h2), fix(8, h2), fix(1, h2), fix(1, h2),
            fix(h2, hdim), fix(1, hdim),
        ],
        out_specs=pl.BlockSpec((_ROWS, hdim), lambda b: (b, 0)),
        out_shape=jax.ShapeDtypeStruct((n_nodes, hdim), jnp.float32),
    )(z, st, gamma, beta, w2, b2)



def kernel(x, edge_index, edge_attr, self_loop_index, self_loop_type, node_emb,
           We0, be0, W1_0, b1_0, gamma0, beta0, W2_0, b2_0,
           We1, be1, W1_1, b1_1, gamma1, beta1, W2_1, b2_1):
    n_nodes = x.shape[0]
    n_edges, edim = edge_attr.shape
    hdim = node_emb.shape[1]

    dst = edge_index[0].astype(jnp.int32)
    src = edge_index[1].astype(jnp.int32)
    x_f = x.astype(jnp.float32)

    ea_pad = jnp.concatenate(
        [
            edge_attr.astype(jnp.float32),
            jnp.zeros((n_edges, 16 - edim), jnp.float32),
        ],
        axis=1,
    )
    tbl = jnp.zeros((n_nodes, 16), jnp.float32)
    tbl = tbl.at[:, edim].set(x_f).at[:, edim + 1].set(1.0)
    slt_f = jnp.asarray(self_loop_type, jnp.float32)
    sl_row = jnp.zeros((1, 16), jnp.float32).at[0, self_loop_index].add(slt_f)
    sl_row = sl_row.at[0, edim + 1].add(1.0)

    zeros16 = jnp.zeros((n_nodes, 16), jnp.float32)
    zeros_h = jnp.zeros((n_nodes, hdim), jnp.float32)

    pa0, pa1 = _phase_a_call(src, dst, ea_pad, tbl, zeros16, n_nodes, n_edges, edim)

    x_col = x_f.reshape(n_nodes, 1)
    emb = node_emb.astype(jnp.float32)
    z0, sadj, st0 = _tc_front0(
        pa0, pa1, x_col, sl_row, emb, We0, be0.reshape(1, hdim),
        W1_0, b1_0.reshape(1, 2 * hdim), n_nodes, edim, hdim)
    h = _tc_back(z0, st0, gamma0.reshape(1, -1), beta0.reshape(1, -1),
                 W2_0, b2_0.reshape(1, hdim), n_nodes, hdim, final_relu=True)

    pb0, pb1 = _phase_b_call(src, dst, h, zeros_h, n_nodes, n_edges, hdim)

    z1, st1 = _tc_front1(
        pb0, pb1, h, sadj, We1, be1.reshape(1, hdim),
        W1_1, b1_1.reshape(1, 2 * hdim), n_nodes, edim, hdim)
    out = _tc_back(z1, st1, gamma1.reshape(1, -1), beta1.reshape(1, -1),
                   W2_1, b2_1.reshape(1, hdim), n_nodes, hdim, final_relu=False)
    return out

# --- scband reference (transcript-rebuilt; emitter-appended) ---
"""Pipeline reference for scband-info-max-trainer-75977971466801 (READ-ONLY COPY).

The authoritative reference and input builder live on the scoring server;
editing this copy changes nothing except your own understanding.
"""

import jax, jax.numpy as jnp
import numpy as np

N = 10000
E = 320000
H = 128
EDIM = 9


def setup_inputs(seed: int = 0) -> dict:
    key = jax.random.key(seed)
    ks = jax.random.split(key, 16)
    inp = {}
    inp["x"] = jax.random.randint(ks[0], (N,), 0, 2)
    inp["edge_index"] = jax.random.randint(ks[1], (2, E), 0, N)
    inp["edge_attr"] = jax.random.uniform(ks[2], (E, EDIM), dtype=jnp.float32)
    inp["self_loop_index"] = 7
    inp["self_loop_type"] = 1
    inp["node_emb"] = jax.random.normal(ks[3], (2, H), dtype=jnp.float32) * (1.0 / np.sqrt(H))
    for l in range(2):
        o = 4 + l * 3
        inp[f"We{l}"] = jax.random.normal(ks[o], (EDIM, H), dtype=jnp.float32) * (1.0 / np.sqrt(EDIM))
        inp[f"be{l}"] = jnp.zeros((H,), dtype=jnp.float32)
        inp[f"W1_{l}"] = jax.random.normal(ks[o + 1], (2 * H, 2 * H), dtype=jnp.float32) * (1.0 / np.sqrt(2 * H))
        inp[f"b1_{l}"] = jnp.zeros((2 * H,), dtype=jnp.float32)
        inp[f"gamma{l}"] = jnp.ones((2 * H,), dtype=jnp.float32)
        inp[f"beta{l}"] = jnp.zeros((2 * H,), dtype=jnp.float32)
        inp[f"W2_{l}"] = jax.random.normal(ks[o + 2], (2 * H, H), dtype=jnp.float32) * (1.0 / np.sqrt(2 * H))
        inp[f"b2_{l}"] = jnp.zeros((H,), dtype=jnp.float32)
    return inp


def _gin_layer(xf, dst, src, ea, We, be, W1, b1, gamma, beta, W2, b2, num_nodes):
    # edge encoder: Linear(edge_encode -> hidden)
    ee = ea @ We + be
    # feature_concat=True: cat(x[edge_index[1]], edge_embeddings)
    h = jnp.concatenate([xf[src], ee], axis=1)
    # sum pooling by edge_index[0]
    h = jax.ops.segment_sum(h, dst, num_segments=num_nodes)
    # MLP: Linear(2H,2H) -> BatchNorm1d (training-mode batch stats) -> ReLU -> Linear(2H,H)
    h = h @ W1 + b1
    mean = jnp.mean(h, axis=0)
    var = jnp.var(h, axis=0)
    h = (h - mean) / jnp.sqrt(var + 1e-5) * gamma + beta
    h = jax.nn.relu(h)
    h = h @ W2 + b2
    return h


def reference(x, edge_index, edge_attr, self_loop_index, self_loop_type, node_emb,
              We0, be0, W1_0, b1_0, gamma0, beta0, W2_0, b2_0,
              We1, be1, W1_1, b1_1, gamma1, beta1, W2_1, b2_1):
    num_nodes = x.shape[0]
    loop = jnp.arange(num_nodes, dtype=edge_index.dtype)
    ei = jnp.concatenate([edge_index, jnp.stack([loop, loop])], axis=1)
    sla = jnp.zeros((num_nodes, edge_attr.shape[1]), dtype=edge_attr.dtype).at[:, self_loop_index].set(jnp.asarray(self_loop_type, dtype=edge_attr.dtype))
    ea = jnp.concatenate([edge_attr, sla], axis=0)
    dst, src = ei[0], ei[1]
    # layer 0: input_layer=2 embedding of integer node features
    x0 = node_emb[x]
    h = _gin_layer(x0, dst, src, ea, We0, be0, W1_0, b1_0, gamma0, beta0, W2_0, b2_0, num_nodes)
    h = jax.nn.relu(h)  # relu between layers; dropout treated as eval (identity)
    h = _gin_layer(h, dst, src, ea, We1, be1, W1_1, b1_1, gamma1, beta1, W2_1, b2_1, num_nodes)
    # JK='last'
    return h

if __name__ == "__main__":
    import jax
    _d = setup_inputs()
    print(jax.jit(kernel)(*tuple(_d.values())))

</pallas_src>

<mosaic_0001>
#map = affine_map<(d0, d1) -> (0)>
#map1 = affine_map<(d0, d1) -> (0, 0)>
module attributes {stable_mosaic.version = 14 : i64} {
  func.func @k(%arg0: i32, %arg1: i32, %arg2: memref<320000xi32, #tpu.memory_space<hbm>>, %arg3: memref<320000xi32, #tpu.memory_space<hbm>>, %arg4: memref<10000x128xf32, #tpu.memory_space<hbm>>, %arg5: memref<10000x128xf32, #tpu.memory_space<hbm>>, %arg6: memref<10000x128xf32, #tpu.memory_space<hbm>>, %arg7: memref<10000x128xf32, #tpu.memory_space<hbm>>, %arg8: memref<128xi32, #tpu.memory_space<vmem>>, %arg9: memref<128xi32, #tpu.memory_space<vmem>>, %arg10: memref<128x128xf32, #tpu.memory_space<vmem>>, %arg11: memref<10000x128xf32, #tpu.memory_space<vmem_shared>>, %arg12: memref<!tpu.dma_semaphore, #tpu.memory_space<semaphore_mem>>) attributes {dimension_semantics = [#tpu.dimension_semantics<core_parallel>, #tpu.dimension_semantics<subcore_parallel>], iteration_bounds = array<i64: 2, 16>, scalar_prefetch = 0 : i64, scratch_operands = 5 : i64, tpu.core_type = #tpu.core_type<sc_vector_subcore>, window_params = [{transform_indices = #map}, {transform_indices = #map}, {transform_indices = #map1}, {transform_indices = #map1}, {transform_indices = #map1}, {transform_indices = #map1}]} {
    %mul3A = arith.constant 2 : i32
    %mul3A_0 = arith.muli %arg1, %mul3A : i32
    %add3A = arith.addi %mul3A_0, %arg0 : i32
    %eq3A = arith.constant 0 : i32
    %eq3A_1 = arith.cmpi eq, %arg1, %eq3A : i32
    %convert_element_type3A = arith.extui %eq3A_1 : i1 to i32
    %cond3A = arith.constant 0 : i32
    %cond3A_2 = arith.cmpi ne, %convert_element_type3A, %cond3A : i32
    scf.if %cond3A_2 {
      "tpu.region"() ({
        %run_scoped3A = tpu.sem_alloc : memref<!tpu.dma_semaphore, #tpu.memory_space<semaphore_mem>>
        tpu.enqueue_dma source(%arg5 : memref<10000x128xf32, #tpu.memory_space<hbm>>) target(%arg11 : memref<10000x128xf32, #tpu.memory_space<vmem_shared>>) target_semaphore(%run_scoped3A : memref<!tpu.dma_semaphore, #tpu.memory_space<semaphore_mem>>)
        tpu.wait_dma2 semaphore(%run_scoped3A : memref<!tpu.dma_semaphore, #tpu.memory_space<semaphore_mem>>) src(%arg5 : memref<10000x128xf32, #tpu.memory_space<hbm>>) dst(%arg11 : memref<10000x128xf32, #tpu.memory_space<vmem_shared>>)
        tpu.yield
      }) : () -> ()
    } else {
    }
    %barrier3A = arith.constant 0 : index
    tpu.barrier barrier_id(%barrier3A)
    %lt3A = arith.constant 4 : i32
    %lt3A_3 = arith.cmpi slt, %add3A, %lt3A : i32
    %convert_element_type3A_4 = arith.extui %lt3A_3 : i1 to i32
    %add3A_5 = arith.constant 78 : i32
    %add3A_6 = arith.addi %add3A_5, %convert_element_type3A_4 : i32
    %while3A = arith.constant 0 : i32
    %while3A_7 = arith.constant 0 : i32
    %while3A_8 = arith.subi %add3A_6, %while3A_7 : i32
    %while3A_9 = arith.addi %while3A_7, %while3A_8 : i32
    %while3A_10 = arith.constant 1 : i32
    %while3A_11 = arith.divsi %while3A_8, %while3A_10 : i32
    %while3A_12 = arith.muli %while3A_11, %while3A_10 : i32
    %while3A_13 = arith.addi %while3A_7, %while3A_12 : i32
    %while3A_14 = arith.constant 1 : i32
    scf.for %while3A_32 = %while3A_7 to %while3A_13 step %while3A_14  : i32 {
      %mul3A_33 = arith.constant 32 : i32
      %mul3A_34 = arith.muli %while3A_32, %mul3A_33 : i32
      %add3A_35 = arith.addi %mul3A_34, %add3A : i32
      %mul3A_36 = arith.constant 128 : i32
      %mul3A_37 = arith.muli %add3A_35, %mul3A_36 : i32
      "tpu.region"() ({
        %run_scoped3A = tpu.sem_alloc : memref<!tpu.dma_semaphore, #tpu.memory_space<semaphore_mem>>
        %dma_start3A_42 = tpu.memref_slice %arg2[%mul3A_37] : memref<320000xi32, #tpu.memory_space<hbm>> -> memref<128xi32, #tpu.memory_space<hbm>>
        %dma_start3A_43 = tpu.memref_slice %arg2[%mul3A_37] : memref<320000xi32, #tpu.memory_space<hbm>> -> memref<128xi32, #tpu.memory_space<hbm>>
        tpu.enqueue_dma source(%dma_start3A_43 : memref<128xi32, #tpu.memory_space<hbm>>) target(%arg8 : memref<128xi32, #tpu.memory_space<vmem>>) target_semaphore(%run_scoped3A : memref<!tpu.dma_semaphore, #tpu.memory_space<semaphore_mem>>)
        %dma_wait3A_44 = tpu.memref_slice %arg2[%mul3A_37] : memref<320000xi32, #tpu.memory_space<hbm>> -> memref<128xi32, #tpu.memory_space<hbm>>
        %dma_wait3A_45 = tpu.memref_slice %arg2[%mul3A_37] : memref<320000xi32, #tpu.memory_space<hbm>> -> memref<128xi32, #tpu.memory_space<hbm>>
        tpu.wait_dma2 semaphore(%run_scoped3A : memref<!tpu.dma_semaphore, #tpu.memory_space<semaphore_mem>>) src(%dma_wait3A_45 : memref<128xi32, #tpu.memory_space<hbm>>) dst(%arg8 : memref<128xi32, #tpu.memory_space<vmem>>)
        tpu.yield
      }) : () -> ()
      "tpu.region"() ({
        %run_scoped3A = tpu.sem_alloc : memref<!tpu.dma_semaphore, #tpu.memory_space<semaphore_mem>>
        %dma_start3A_42 = tpu.memref_slice %arg3[%mul3A_37] : memref<320000xi32, #tpu.memory_space<hbm>> -> memref<128xi32, #tpu.memory_space<hbm>>
        %dma_start3A_43 = tpu.memref_slice %arg3[%mul3A_37] : memref<320000xi32, #tpu.memory_space<hbm>> -> memref<128xi32, #tpu.memory_space<hbm>>
        tpu.enqueue_dma source(%dma_start3A_43 : memref<128xi32, #tpu.memory_space<hbm>>) target(%arg9 : memref<128xi32, #tpu.memory_space<vmem>>) target_semaphore(%run_scoped3A : memref<!tpu.dma_semaphore, #tpu.memory_space<semaphore_mem>>)
        %dma_wait3A_44 = tpu.memref_slice %arg3[%mul3A_37] : memref<320000xi32, #tpu.memory_space<hbm>> -> memref<128xi32, #tpu.memory_space<hbm>>
        %dma_wait3A_45 = tpu.memref_slice %arg3[%mul3A_37] : memref<320000xi32, #tpu.memory_space<hbm>> -> memref<128xi32, #tpu.memory_space<hbm>>
        tpu.wait_dma2 semaphore(%run_scoped3A : memref<!tpu.dma_semaphore, #tpu.memory_space<semaphore_mem>>) src(%dma_wait3A_45 : memref<128xi32, #tpu.memory_space<hbm>>) dst(%arg9 : memref<128xi32, #tpu.memory_space<vmem>>)
        tpu.yield
      }) : () -> ()
      %dma_start3A = arith.constant 0 : i32
      %dma_start3A_38 = arith.constant 0 : i32
      %dma_start3A_39 = tpu.memref_slice %arg4[%dma_start3A, %dma_start3A_38] : memref<10000x128xf32, #tpu.memory_space<hbm>> -> memref<10000x128xf32, #tpu.memory_space<hbm>>
      tpu.enqueue_indirect_dma source(%dma_start3A_39 : memref<10000x128xf32, #tpu.memory_space<hbm>>) target(%arg10 : memref<128x128xf32, #tpu.memory_space<vmem>>) offsets(%arg8 : memref<128xi32, #tpu.memory_space<vmem>>) semaphore(%arg12 : memref<!tpu.dma_semaphore, #tpu.memory_space<semaphore_mem>>)
      %dma_wait3A = arith.constant 0 : i32
      %dma_wait3A_40 = arith.constant 0 : i32
      %dma_wait3A_41 = tpu.memref_slice %arg4[%dma_wait3A, %dma_wait3A_40] : memref<10000x128xf32, #tpu.memory_space<hbm>> -> memref<10000x128xf32, #tpu.memory_space<hbm>>
      tpu.wait_indirect_dma semaphore(%arg12 : memref<!tpu.dma_semaphore, #tpu.memory_space<semaphore_mem>>) src(%dma_wait3A_41 : memref<10000x128xf32, #tpu.memory_space<hbm>>) dst(%arg10 : memref<128x128xf32, #tpu.memory_space<vmem>>)
      "tpu.region"() ({
        %run_scoped3A = tpu.sem_alloc : memref<!tpu.dma_semaphore, #tpu.memory_space<semaphore_mem>>
        %dma_start3A_42 = arith.constant 0 : i32
        %dma_start3A_43 = arith.constant 0 : i32
        %dma_start3A_44 = tpu.memref_slice %arg11[%dma_start3A_42, %dma_start3A_43] : memref<10000x128xf32, #tpu.memory_space<vmem_shared>> -> memref<10000x128xf32, #tpu.memory_space<vmem_shared>>
        tpu.enqueue_indirect_dma source(%arg10 : memref<128x128xf32, #tpu.memory_space<vmem>>) target(%dma_start3A_44 : memref<10000x128xf32, #tpu.memory_space<vmem_shared>>) offsets(%arg9 : memref<128xi32, #tpu.memory_space<vmem>>) semaphore(%run_scoped3A : memref<!tpu.dma_semaphore, #tpu.memory_space<semaphore_mem>>) {add = true}
        %dma_wait3A_45 = arith.constant 0 : i32
        %dma_wait3A_46 = arith.constant 0 : i32
        %dma_wait3A_47 = tpu.memref_slice %arg11[%dma_wait3A_45, %dma_wait3A_46] : memref<10000x128xf32, #tpu.memory_space<vmem_shared>> -> memref<10000x128xf32, #tpu.memory_space<vmem_shared>>
        tpu.wait_indirect_dma semaphore(%run_scoped3A : memref<!tpu.dma_semaphore, #tpu.memory_space<semaphore_mem>>) src(%arg10 : memref<128x128xf32, #tpu.memory_space<vmem>>) dst(%dma_wait3A_47 : memref<10000x128xf32, #tpu.memory_space<vmem_shared>>)
        tpu.yield
      }) : () -> ()
    }
    %while3A_15 = arith.constant 1 : i32
    scf.for %while3A_32 = %while3A_13 to %while3A_9 step %while3A_15  : i32 {
      %mul3A_33 = arith.constant 32 : i32
      %mul3A_34 = arith.muli %while3A_32, %mul3A_33 : i32
      %add3A_35 = arith.addi %mul3A_34, %add3A : i32
      %mul3A_36 = arith.constant 128 : i32
      %mul3A_37 = arith.muli %add3A_35, %mul3A_36 : i32
      "tpu.region"() ({
        %run_scoped3A = tpu.sem_alloc : memref<!tpu.dma_semaphore, #tpu.memory_space<semaphore_mem>>
        %dma_start3A_42 = tpu.memref_slice %arg2[%mul3A_37] : memref<320000xi32, #tpu.memory_space<hbm>> -> memref<128xi32, #tpu.memory_space<hbm>>
        %dma_start3A_43 = tpu.memref_slice %arg2[%mul3A_37] : memref<320000xi32, #tpu.memory_space<hbm>> -> memref<128xi32, #tpu.memory_space<hbm>>
        tpu.enqueue_dma source(%dma_start3A_43 : memref<128xi32, #tpu.memory_space<hbm>>) target(%arg8 : memref<128xi32, #tpu.memory_space<vmem>>) target_semaphore(%run_scoped3A : memref<!tpu.dma_semaphore, #tpu.memory_space<semaphore_mem>>)
        %dma_wait3A_44 = tpu.memref_slice %arg2[%mul3A_37] : memref<320000xi32, #tpu.memory_space<hbm>> -> memref<128xi32, #tpu.memory_space<hbm>>
        %dma_wait3A_45 = tpu.memref_slice %arg2[%mul3A_37] : memref<320000xi32, #tpu.memory_space<hbm>> -> memref<128xi32, #tpu.memory_space<hbm>>
        tpu.wait_dma2 semaphore(%run_scoped3A : memref<!tpu.dma_semaphore, #tpu.memory_space<semaphore_mem>>) src(%dma_wait3A_45 : memref<128xi32, #tpu.memory_space<hbm>>) dst(%arg8 : memref<128xi32, #tpu.memory_space<vmem>>)
        tpu.yield
      }) : () -> ()
      "tpu.region"() ({
        %run_scoped3A = tpu.sem_alloc : memref<!tpu.dma_semaphore, #tpu.memory_space<semaphore_mem>>
        %dma_start3A_42 = tpu.memref_slice %arg3[%mul3A_37] : memref<320000xi32, #tpu.memory_space<hbm>> -> memref<128xi32, #tpu.memory_space<hbm>>
        %dma_start3A_43 = tpu.memref_slice %arg3[%mul3A_37] : memref<320000xi32, #tpu.memory_space<hbm>> -> memref<128xi32, #tpu.memory_space<hbm>>
        tpu.enqueue_dma source(%dma_start3A_43 : memref<128xi32, #tpu.memory_space<hbm>>) target(%arg9 : memref<128xi32, #tpu.memory_space<vmem>>) target_semaphore(%run_scoped3A : memref<!tpu.dma_semaphore, #tpu.memory_space<semaphore_mem>>)
        %dma_wait3A_44 = tpu.memref_slice %arg3[%mul3A_37] : memref<320000xi32, #tpu.memory_space<hbm>> -> memref<128xi32, #tpu.memory_space<hbm>>
        %dma_wait3A_45 = tpu.memref_slice %arg3[%mul3A_37] : memref<320000xi32, #tpu.memory_space<hbm>> -> memref<128xi32, #tpu.memory_space<hbm>>
        tpu.wait_dma2 semaphore(%run_scoped3A : memref<!tpu.dma_semaphore, #tpu.memory_space<semaphore_mem>>) src(%dma_wait3A_45 : memref<128xi32, #tpu.memory_space<hbm>>) dst(%arg9 : memref<128xi32, #tpu.memory_space<vmem>>)
        tpu.yield
      }) : () -> ()
      %dma_start3A = arith.constant 0 : i32
      %dma_start3A_38 = arith.constant 0 : i32
      %dma_start3A_39 = tpu.memref_slice %arg4[%dma_start3A, %dma_start3A_38] : memref<10000x128xf32, #tpu.memory_space<hbm>> -> memref<10000x128xf32, #tpu.memory_space<hbm>>
      tpu.enqueue_indirect_dma source(%dma_start3A_39 : memref<10000x128xf32, #tpu.memory_space<hbm>>) target(%arg10 : memref<128x128xf32, #tpu.memory_space<vmem>>) offsets(%arg8 : memref<128xi32, #tpu.memory_space<vmem>>) semaphore(%arg12 : memref<!tpu.dma_semaphore, #tpu.memory_space<semaphore_mem>>)
      %dma_wait3A = arith.constant 0 : i32
      %dma_wait3A_40 = arith.constant 0 : i32
      %dma_wait3A_41 = tpu.memref_slice %arg4[%dma_wait3A, %dma_wait3A_40] : memref<10000x128xf32, #tpu.memory_space<hbm>> -> memref<10000x128xf32, #tpu.memory_space<hbm>>
      tpu.wait_indirect_dma semaphore(%arg12 : memref<!tpu.dma_semaphore, #tpu.memory_space<semaphore_mem>>) src(%dma_wait3A_41 : memref<10000x128xf32, #tpu.memory_space<hbm>>) dst(%arg10 : memref<128x128xf32, #tpu.memory_space<vmem>>)
      "tpu.region"() ({
        %run_scoped3A = tpu.sem_alloc : memref<!tpu.dma_semaphore, #tpu.memory_space<semaphore_mem>>
        %dma_start3A_42 = arith.constant 0 : i32
        %dma_start3A_43 = arith.constant 0 : i32
        %dma_start3A_44 = tpu.memref_slice %arg11[%dma_start3A_42, %dma_start3A_43] : memref<10000x128xf32, #tpu.memory_space<vmem_shared>> -> memref<10000x128xf32, #tpu.memory_space<vmem_shared>>
        tpu.enqueue_indirect_dma source(%arg10 : memref<128x128xf32, #tpu.memory_space<vmem>>) target(%dma_start3A_44 : memref<10000x128xf32, #tpu.memory_space<vmem_shared>>) offsets(%arg9 : memref<128xi32, #tpu.memory_space<vmem>>) semaphore(%run_scoped3A : memref<!tpu.dma_semaphore, #tpu.memory_space<semaphore_mem>>) {add = true}
        %dma_wait3A_45 = arith.constant 0 : i32
        %dma_wait3A_46 = arith.constant 0 : i32
        %dma_wait3A_47 = tpu.memref_slice %arg11[%dma_wait3A_45, %dma_wait3A_46] : memref<10000x128xf32, #tpu.memory_space<vmem_shared>> -> memref<10000x128xf32, #tpu.memory_space<vmem_shared>>
        tpu.wait_indirect_dma semaphore(%run_scoped3A : memref<!tpu.dma_semaphore, #tpu.memory_space<semaphore_mem>>) src(%arg10 : memref<128x128xf32, #tpu.memory_space<vmem>>) dst(%dma_wait3A_47 : memref<10000x128xf32, #tpu.memory_space<vmem_shared>>)
        tpu.yield
      }) : () -> ()
    }
    %barrier3A_16 = arith.constant 0 : index
    tpu.barrier barrier_id(%barrier3A_16)
    %eq3A_17 = arith.constant 0 : i32
    %eq3A_18 = arith.cmpi eq, %arg1, %eq3A_17 : i32
    %eq3A_19 = arith.constant 0 : i32
    %eq3A_20 = arith.cmpi eq, %arg0, %eq3A_19 : i32
    %and3A = arith.andi %eq3A_18, %eq3A_20 : i1
    %convert_element_type3A_21 = arith.extui %and3A : i1 to i32
    %cond3A_22 = arith.constant 0 : i32
    %cond3A_23 = arith.cmpi ne, %convert_element_type3A_21, %cond3A_22 : i32
    scf.if %cond3A_23 {
      "tpu.region"() ({
        %run_scoped3A = tpu.sem_alloc : memref<!tpu.dma_semaphore, #tpu.memory_space<semaphore_mem>>
        tpu.enqueue_dma source(%arg11 : memref<10000x128xf32, #tpu.memory_space<vmem_shared>>) target(%arg6 : memref<10000x128xf32, #tpu.memory_space<hbm>>) target_semaphore(%run_scoped3A : memref<!tpu.dma_semaphore, #tpu.memory_space<semaphore_mem>>)
        tpu.wait_dma2 semaphore(%run_scoped3A : memref<!tpu.dma_semaphore, #tpu.memory_space<semaphore_mem>>) src(%arg11 : memref<10000x128xf32, #tpu.memory_space<vmem_shared>>) dst(%arg6 : memref<10000x128xf32, #tpu.memory_space<hbm>>)
        tpu.yield
      }) : () -> ()
    } else {
    }
    %eq3A_24 = arith.constant 0 : i32
    %eq3A_25 = arith.cmpi eq, %arg1, %eq3A_24 : i32
    %eq3A_26 = arith.constant 1 : i32
    %eq3A_27 = arith.cmpi eq, %arg0, %eq3A_26 : i32
    %and3A_28 = arith.andi %eq3A_25, %eq3A_27 : i1
    %convert_element_type3A_29 = arith.extui %and3A_28 : i1 to i32
    %cond3A_30 = arith.constant 0 : i32
    %cond3A_31 = arith.cmpi ne, %convert_element_type3A_29, %cond3A_30 : i32
    scf.if %cond3A_31 {
      "tpu.region"() ({
        %run_scoped3A = tpu.sem_alloc : memref<!tpu.dma_semaphore, #tpu.memory_space<semaphore_mem>>
        tpu.enqueue_dma source(%arg11 : memref<10000x128xf32, #tpu.memory_space<vmem_shared>>) target(%arg7 : memref<10000x128xf32, #tpu.memory_space<hbm>>) target_semaphore(%run_scoped3A : memref<!tpu.dma_semaphore, #tpu.memory_space<semaphore_mem>>)
        tpu.wait_dma2 semaphore(%run_scoped3A : memref<!tpu.dma_semaphore, #tpu.memory_space<semaphore_mem>>) src(%arg11 : memref<10000x128xf32, #tpu.memory_space<vmem_shared>>) dst(%arg7 : memref<10000x128xf32, #tpu.memory_space<hbm>>)
        tpu.yield
      }) : () -> ()
    } else {
    }
    return
  }
}

#map = affine_map<(d0, d1) -> (0)>
#map1 = affine_map<(d0, d1) -> (0, 0)>
module attributes {stable_mosaic.version = 14 : i64} {
  func.func @k(%arg0: i32, %arg1: i32, %arg2: memref<320000xi32, #tpu.memory_space<hbm>>, %arg3: memref<320000xi32, #tpu.memory_space<hbm>>, %arg4: memref<320000x16xf32, #tpu.memory_space<hbm>>, %arg5: memref<10000x16xf32, #tpu.memory_space<hbm>>, %arg6: memref<10000x16xf32, #tpu.memory_space<hbm>>, %arg7: memref<10000x16xf32, #tpu.memory_space<hbm>>, %arg8: memref<10000x16xf32, #tpu.memory_space<hbm>>, %arg9: memref<128xi32, #tpu.memory_space<vmem>>, %arg10: memref<128xi32, #tpu.memory_space<vmem>>, %arg11: memref<128x16xf32, #tpu.memory_space<vmem>>, %arg12: memref<128x16xf32, #tpu.memory_space<vmem>>, %arg13: memref<10000x16xf32, #tpu.memory_space<vmem_shared>>, %arg14: memref<10000x16xf32, #tpu.memory_space<vmem_shared>>, %arg15: memref<!tpu.dma_semaphore, #tpu.memory_space<semaphore_mem>>) attributes {dimension_semantics = [#tpu.dimension_semantics<core_parallel>, #tpu.dimension_semantics<subcore_parallel>], iteration_bounds = array<i64: 2, 16>, scalar_prefetch = 0 : i64, scratch_operands = 7 : i64, tpu.core_type = #tpu.core_type<sc_vector_subcore>, window_params = [{transform_indices = #map}, {transform_indices = #map}, {transform_indices = #map1}, {transform_indices = #map1}, {transform_indices = #map1}, {transform_indices = #map1}, {transform_indices = #map1}]} {
    %mul3A = arith.constant 2 : i32
    %mul3A_0 = arith.muli %arg1, %mul3A : i32
    %add3A = arith.addi %mul3A_0, %arg0 : i32
    %eq3A = arith.constant 0 : i32
    %eq3A_1 = arith.cmpi eq, %arg1, %eq3A : i32
    %convert_element_type3A = arith.extui %eq3A_1 : i1 to i32
    %cond3A = arith.constant 0 : i32
    %cond3A_2 = arith.cmpi ne, %convert_element_type3A, %cond3A : i32
    scf.if %cond3A_2 {
      "tpu.region"() ({
        %run_scoped3A = tpu.sem_alloc : memref<!tpu.dma_semaphore, #tpu.memory_space<semaphore_mem>>
        tpu.enqueue_dma source(%arg6 : memref<10000x16xf32, #tpu.memory_space<hbm>>) target(%arg13 : memref<10000x16xf32, #tpu.memory_space<vmem_shared>>) target_semaphore(%run_scoped3A : memref<!tpu.dma_semaphore, #tpu.memory_space<semaphore_mem>>)
        tpu.wait_dma2 semaphore(%run_scoped3A : memref<!tpu.dma_semaphore, #tpu.memory_space<semaphore_mem>>) src(%arg6 : memref<10000x16xf32, #tpu.memory_space<hbm>>) dst(%arg13 : memref<10000x16xf32, #tpu.memory_space<vmem_shared>>)
        tpu.yield
      }) : () -> ()
    } else {
    }
    %eq3A_3 = arith.constant 1 : i32
    %eq3A_4 = arith.cmpi eq, %arg1, %eq3A_3 : i32
    %convert_element_type3A_5 = arith.extui %eq3A_4 : i1 to i32
    %cond3A_6 = arith.constant 0 : i32
    %cond3A_7 = arith.cmpi ne, %convert_element_type3A_5, %cond3A_6 : i32
    scf.if %cond3A_7 {
      "tpu.region"() ({
        %run_scoped3A = tpu.sem_alloc : memref<!tpu.dma_semaphore, #tpu.memory_space<semaphore_mem>>
        tpu.enqueue_dma source(%arg5 : memref<10000x16xf32, #tpu.memory_space<hbm>>) target(%arg14 : memref<10000x16xf32, #tpu.memory_space<vmem_shared>>) target_semaphore(%run_scoped3A : memref<!tpu.dma_semaphore, #tpu.memory_space<semaphore_mem>>)
        tpu.wait_dma2 semaphore(%run_scoped3A : memref<!tpu.dma_semaphore, #tpu.memory_space<semaphore_mem>>) src(%arg5 : memref<10000x16xf32, #tpu.memory_space<hbm>>) dst(%arg14 : memref<10000x16xf32, #tpu.memory_space<vmem_shared>>)
        tpu.yield
      }) : () -> ()
    } else {
    }
    %barrier3A = arith.constant 0 : index
    tpu.barrier barrier_id(%barrier3A)
    %lt3A = arith.constant 4 : i32
    %lt3A_8 = arith.cmpi slt, %add3A, %lt3A : i32
    %convert_element_type3A_9 = arith.extui %lt3A_8 : i1 to i32
    %add3A_10 = arith.constant 78 : i32
    %add3A_11 = arith.addi %add3A_10, %convert_element_type3A_9 : i32
    %while3A = arith.constant 0 : i32
    %while3A_12 = arith.constant 0 : i32
    %while3A_13 = arith.subi %add3A_11, %while3A_12 : i32
    %while3A_14 = arith.addi %while3A_12, %while3A_13 : i32
    %while3A_15 = arith.constant 1 : i32
    %while3A_16 = arith.divsi %while3A_13, %while3A_15 : i32
    %while3A_17 = arith.muli %while3A_16, %while3A_15 : i32
    %while3A_18 = arith.addi %while3A_12, %while3A_17 : i32
    %while3A_19 = arith.constant 1 : i32
    scf.for %while3A_37 = %while3A_12 to %while3A_18 step %while3A_19  : i32 {
      %mul3A_38 = arith.constant 32 : i32
      %mul3A_39 = arith.muli %while3A_37, %mul3A_38 : i32
      %add3A_40 = arith.addi %mul3A_39, %add3A : i32
      %mul3A_41 = arith.constant 128 : i32
      %mul3A_42 = arith.muli %add3A_40, %mul3A_41 : i32
      "tpu.region"() ({
        %run_scoped3A = tpu.sem_alloc : memref<!tpu.dma_semaphore, #tpu.memory_space<semaphore_mem>>
        %dma_start3A_47 = tpu.memref_slice %arg2[%mul3A_42] : memref<320000xi32, #tpu.memory_space<hbm>> -> memref<128xi32, #tpu.memory_space<hbm>>
        %dma_start3A_48 = tpu.memref_slice %arg2[%mul3A_42] : memref<320000xi32, #tpu.memory_space<hbm>> -> memref<128xi32, #tpu.memory_space<hbm>>
        tpu.enqueue_dma source(%dma_start3A_48 : memref<128xi32, #tpu.memory_space<hbm>>) target(%arg9 : memref<128xi32, #tpu.memory_space<vmem>>) target_semaphore(%run_scoped3A : memref<!tpu.dma_semaphore, #tpu.memory_space<semaphore_mem>>)
        %dma_wait3A_49 = tpu.memref_slice %arg2[%mul3A_42] : memref<320000xi32, #tpu.memory_space<hbm>> -> memref<128xi32, #tpu.memory_space<hbm>>
        %dma_wait3A_50 = tpu.memref_slice %arg2[%mul3A_42] : memref<320000xi32, #tpu.memory_space<hbm>> -> memref<128xi32, #tpu.memory_space<hbm>>
        tpu.wait_dma2 semaphore(%run_scoped3A : memref<!tpu.dma_semaphore, #tpu.memory_space<semaphore_mem>>) src(%dma_wait3A_50 : memref<128xi32, #tpu.memory_space<hbm>>) dst(%arg9 : memref<128xi32, #tpu.memory_space<vmem>>)
        tpu.yield
      }) : () -> ()
      "tpu.region"() ({
        %run_scoped3A = tpu.sem_alloc : memref<!tpu.dma_semaphore, #tpu.memory_space<semaphore_mem>>
        %dma_start3A_47 = tpu.memref_slice %arg3[%mul3A_42] : memref<320000xi32, #tpu.memory_space<hbm>> -> memref<128xi32, #tpu.memory_space<hbm>>
        %dma_start3A_48 = tpu.memref_slice %arg3[%mul3A_42] : memref<320000xi32, #tpu.memory_space<hbm>> -> memref<128xi32, #tpu.memory_space<hbm>>
        tpu.enqueue_dma source(%dma_start3A_48 : memref<128xi32, #tpu.memory_space<hbm>>) target(%arg10 : memref<128xi32, #tpu.memory_space<vmem>>) target_semaphore(%run_scoped3A : memref<!tpu.dma_semaphore, #tpu.memory_space<semaphore_mem>>)
        %dma_wait3A_49 = tpu.memref_slice %arg3[%mul3A_42] : memref<320000xi32, #tpu.memory_space<hbm>> -> memref<128xi32, #tpu.memory_space<hbm>>
        %dma_wait3A_50 = tpu.memref_slice %arg3[%mul3A_42] : memref<320000xi32, #tpu.memory_space<hbm>> -> memref<128xi32, #tpu.memory_space<hbm>>
        tpu.wait_dma2 semaphore(%run_scoped3A : memref<!tpu.dma_semaphore, #tpu.memory_space<semaphore_mem>>) src(%dma_wait3A_50 : memref<128xi32, #tpu.memory_space<hbm>>) dst(%arg10 : memref<128xi32, #tpu.memory_space<vmem>>)
        tpu.yield
      }) : () -> ()
      "tpu.region"() ({
        %run_scoped3A = tpu.sem_alloc : memref<!tpu.dma_semaphore, #tpu.memory_space<semaphore_mem>>
        %dma_start3A_47 = arith.constant 0 : i32
        %dma_start3A_48 = tpu.memref_slice %arg4[%mul3A_42, %dma_start3A_47] : memref<320000x16xf32, #tpu.memory_space<hbm>> -> memref<128x16xf32, #tpu.memory_space<hbm>>
        %dma_start3A_49 = arith.constant 0 : i32
        %dma_start3A_50 = tpu.memref_slice %arg4[%mul3A_42, %dma_start3A_49] : memref<320000x16xf32, #tpu.memory_space<hbm>> -> memref<128x16xf32, #tpu.memory_space<hbm>>
        tpu.enqueue_dma source(%dma_start3A_50 : memref<128x16xf32, #tpu.memory_space<hbm>>) target(%arg11 : memref<128x16xf32, #tpu.memory_space<vmem>>) target_semaphore(%run_scoped3A : memref<!tpu.dma_semaphore, #tpu.memory_space<semaphore_mem>>)
        %dma_wait3A_51 = arith.constant 0 : i32
        %dma_wait3A_52 = tpu.memref_slice %arg4[%mul3A_42, %dma_wait3A_51] : memref<320000x16xf32, #tpu.memory_space<hbm>> -> memref<128x16xf32, #tpu.memory_space<hbm>>
        %dma_wait3A_53 = arith.constant 0 : i32
        %dma_wait3A_54 = tpu.memref_slice %arg4[%mul3A_42, %dma_wait3A_53] : memref<320000x16xf32, #tpu.memory_space<hbm>> -> memref<128x16xf32, #tpu.memory_space<hbm>>
        tpu.wait_dma2 semaphore(%run_scoped3A : memref<!tpu.dma_semaphore, #tpu.memory_space<semaphore_mem>>) src(%dma_wait3A_54 : memref<128x16xf32, #tpu.memory_space<hbm>>) dst(%arg11 : memref<128x16xf32, #tpu.memory_space<vmem>>)
        tpu.yield
      }) : () -> ()
      %dma_start3A = arith.constant 0 : i32
      %dma_start3A_43 = arith.constant 0 : i32
      %dma_start3A_44 = tpu.memref_slice %arg14[%dma_start3A, %dma_start3A_43] : memref<10000x16xf32, #tpu.memory_space<vmem_shared>> -> memref<10000x16xf32, #tpu.memory_space<vmem_shared>>
      tpu.enqueue_indirect_dma source(%dma_start3A_44 : memref<10000x16xf32, #tpu.memory_space<vmem_shared>>) target(%arg12 : memref<128x16xf32, #tpu.memory_space<vmem>>) offsets(%arg9 : memref<128xi32, #tpu.memory_space<vmem>>) semaphore(%arg15 : memref<!tpu.dma_semaphore, #tpu.memory_space<semaphore_mem>>)
      %dma_wait3A = arith.constant 0 : i32
      %dma_wait3A_45 = arith.constant 0 : i32
      %dma_wait3A_46 = tpu.memref_slice %arg14[%dma_wait3A, %dma_wait3A_45] : memref<10000x16xf32, #tpu.memory_space<vmem_shared>> -> memref<10000x16xf32, #tpu.memory_space<vmem_shared>>
      tpu.wait_indirect_dma semaphore(%arg15 : memref<!tpu.dma_semaphore, #tpu.memory_space<semaphore_mem>>) src(%dma_wait3A_46 : memref<10000x16xf32, #tpu.memory_space<vmem_shared>>) dst(%arg12 : memref<128x16xf32, #tpu.memory_space<vmem>>)
      "tpu.region"() ({
        %run_scoped3A = tpu.sem_alloc : memref<!tpu.dma_semaphore, #tpu.memory_space<semaphore_mem>>
        %dma_start3A_47 = arith.constant 0 : i32
        %dma_start3A_48 = arith.constant 0 : i32
        %dma_start3A_49 = tpu.memref_slice %arg13[%dma_start3A_47, %dma_start3A_48] : memref<10000x16xf32, #tpu.memory_space<vmem_shared>> -> memref<10000x16xf32, #tpu.memory_space<vmem_shared>>
        tpu.enqueue_indirect_dma source(%arg11 : memref<128x16xf32, #tpu.memory_space<vmem>>) target(%dma_start3A_49 : memref<10000x16xf32, #tpu.memory_space<vmem_shared>>) offsets(%arg10 : memref<128xi32, #tpu.memory_space<vmem>>) semaphore(%run_scoped3A : memref<!tpu.dma_semaphore, #tpu.memory_space<semaphore_mem>>) {add = true}
        %dma_wait3A_50 = arith.constant 0 : i32
        %dma_wait3A_51 = arith.constant 0 : i32
        %dma_wait3A_52 = tpu.memref_slice %arg13[%dma_wait3A_50, %dma_wait3A_51] : memref<10000x16xf32, #tpu.memory_space<vmem_shared>> -> memref<10000x16xf32, #tpu.memory_space<vmem_shared>>
        tpu.wait_indirect_dma semaphore(%run_scoped3A : memref<!tpu.dma_semaphore, #tpu.memory_space<semaphore_mem>>) src(%arg11 : memref<128x16xf32, #tpu.memory_space<vmem>>) dst(%dma_wait3A_52 : memref<10000x16xf32, #tpu.memory_space<vmem_shared>>)
        tpu.yield
      }) : () -> ()
      "tpu.region"() ({
        %run_scoped3A = tpu.sem_alloc : memref<!tpu.dma_semaphore, #tpu.memory_space<semaphore_mem>>
        %dma_start3A_47 = arith.constant 0 : i32
        %dma_start3A_48 = arith.constant 0 : i32
        %dma_start3A_49 = tpu.memref_slice %arg13[%dma_start3A_47, %dma_start3A_48] : memref<10000x16xf32, #tpu.memory_space<vmem_shared>> -> memref<10000x16xf32, #tpu.memory_space<vmem_shared>>
        tpu.enqueue_indirect_dma source(%arg12 : memref<128x16xf32, #tpu.memory_space<vmem>>) target(%dma_start3A_49 : memref<10000x16xf32, #tpu.memory_space<vmem_shared>>) offsets(%arg10 : memref<128xi32, #tpu.memory_space<vmem>>) semaphore(%run_scoped3A : memref<!tpu.dma_semaphore, #tpu.memory_space<semaphore_mem>>) {add = true}
        %dma_wait3A_50 = arith.constant 0 : i32
        %dma_wait3A_51 = arith.constant 0 : i32
        %dma_wait3A_52 = tpu.memref_slice %arg13[%dma_wait3A_50, %dma_wait3A_51] : memref<10000x16xf32, #tpu.memory_space<vmem_shared>> -> memref<10000x16xf32, #tpu.memory_space<vmem_shared>>
        tpu.wait_indirect_dma semaphore(%run_scoped3A : memref<!tpu.dma_semaphore, #tpu.memory_space<semaphore_mem>>) src(%arg12 : memref<128x16xf32, #tpu.memory_space<vmem>>) dst(%dma_wait3A_52 : memref<10000x16xf32, #tpu.memory_space<vmem_shared>>)
        tpu.yield
      }) : () -> ()
    }
    %while3A_20 = arith.constant 1 : i32
    scf.for %while3A_37 = %while3A_18 to %while3A_14 step %while3A_20  : i32 {
      %mul3A_38 = arith.constant 32 : i32
      %mul3A_39 = arith.muli %while3A_37, %mul3A_38 : i32
      %add3A_40 = arith.addi %mul3A_39, %add3A : i32
      %mul3A_41 = arith.constant 128 : i32
      %mul3A_42 = arith.muli %add3A_40, %mul3A_41 : i32
      "tpu.region"() ({
        %run_scoped3A = tpu.sem_alloc : memref<!tpu.dma_semaphore, #tpu.memory_space<semaphore_mem>>
        %dma_start3A_47 = tpu.memref_slice %arg2[%mul3A_42] : memref<320000xi32, #tpu.memory_space<hbm>> -> memref<128xi32, #tpu.memory_space<hbm>>
        %dma_start3A_48 = tpu.memref_slice %arg2[%mul3A_42] : memref<320000xi32, #tpu.memory_space<hbm>> -> memref<128xi32, #tpu.memory_space<hbm>>
        tpu.enqueue_dma source(%dma_start3A_48 : memref<128xi32, #tpu.memory_space<hbm>>) target(%arg9 : memref<128xi32, #tpu.memory_space<vmem>>) target_semaphore(%run_scoped3A : memref<!tpu.dma_semaphore, #tpu.memory_space<semaphore_mem>>)
        %dma_wait3A_49 = tpu.memref_slice %arg2[%mul3A_42] : memref<320000xi32, #tpu.memory_space<hbm>> -> memref<128xi32, #tpu.memory_space<hbm>>
        %dma_wait3A_50 = tpu.memref_slice %arg2[%mul3A_42] : memref<320000xi32, #tpu.memory_space<hbm>> -> memref<128xi32, #tpu.memory_space<hbm>>
        tpu.wait_dma2 semaphore(%run_scoped3A : memref<!tpu.dma_semaphore, #tpu.memory_space<semaphore_mem>>) src(%dma_wait3A_50 : memref<128xi32, #tpu.memory_space<hbm>>) dst(%arg9 : memref<128xi32, #tpu.memory_space<vmem>>)
        tpu.yield
      }) : () -> ()
      "tpu.region"() ({
        %run_scoped3A = tpu.sem_alloc : memref<!tpu.dma_semaphore, #tpu.memory_space<semaphore_mem>>
        %dma_start3A_47 = tpu.memref_slice %arg3[%mul3A_42] : memref<320000xi32, #tpu.memory_space<hbm>> -> memref<128xi32, #tpu.memory_space<hbm>>
        %dma_start3A_48 = tpu.memref_slice %arg3[%mul3A_42] : memref<320000xi32, #tpu.memory_space<hbm>> -> memref<128xi32, #tpu.memory_space<hbm>>
        tpu.enqueue_dma source(%dma_start3A_48 : memref<128xi32, #tpu.memory_space<hbm>>) target(%arg10 : memref<128xi32, #tpu.memory_space<vmem>>) target_semaphore(%run_scoped3A : memref<!tpu.dma_semaphore, #tpu.memory_space<semaphore_mem>>)
        %dma_wait3A_49 = tpu.memref_slice %arg3[%mul3A_42] : memref<320000xi32, #tpu.memory_space<hbm>> -> memref<128xi32, #tpu.memory_space<hbm>>
        %dma_wait3A_50 = tpu.memref_slice %arg3[%mul3A_42] : memref<320000xi32, #tpu.memory_space<hbm>> -> memref<128xi32, #tpu.memory_space<hbm>>
        tpu.wait_dma2 semaphore(%run_scoped3A : memref<!tpu.dma_semaphore, #tpu.memory_space<semaphore_mem>>) src(%dma_wait3A_50 : memref<128xi32, #tpu.memory_space<hbm>>) dst(%arg10 : memref<128xi32, #tpu.memory_space<vmem>>)
        tpu.yield
      }) : () -> ()
      "tpu.region"() ({
        %run_scoped3A = tpu.sem_alloc : memref<!tpu.dma_semaphore, #tpu.memory_space<semaphore_mem>>
        %dma_start3A_47 = arith.constant 0 : i32
        %dma_start3A_48 = tpu.memref_slice %arg4[%mul3A_42, %dma_start3A_47] : memref<320000x16xf32, #tpu.memory_space<hbm>> -> memref<128x16xf32, #tpu.memory_space<hbm>>
        %dma_start3A_49 = arith.constant 0 : i32
        %dma_start3A_50 = tpu.memref_slice %arg4[%mul3A_42, %dma_start3A_49] : memref<320000x16xf32, #tpu.memory_space<hbm>> -> memref<128x16xf32, #tpu.memory_space<hbm>>
        tpu.enqueue_dma source(%dma_start3A_50 : memref<128x16xf32, #tpu.memory_space<hbm>>) target(%arg11 : memref<128x16xf32, #tpu.memory_space<vmem>>) target_semaphore(%run_scoped3A : memref<!tpu.dma_semaphore, #tpu.memory_space<semaphore_mem>>)
        %dma_wait3A_51 = arith.constant 0 : i32
        %dma_wait3A_52 = tpu.memref_slice %arg4[%mul3A_42, %dma_wait3A_51] : memref<320000x16xf32, #tpu.memory_space<hbm>> -> memref<128x16xf32, #tpu.memory_space<hbm>>
        %dma_wait3A_53 = arith.constant 0 : i32
        %dma_wait3A_54 = tpu.memref_slice %arg4[%mul3A_42, %dma_wait3A_53] : memref<320000x16xf32, #tpu.memory_space<hbm>> -> memref<128x16xf32, #tpu.memory_space<hbm>>
        tpu.wait_dma2 semaphore(%run_scoped3A : memref<!tpu.dma_semaphore, #tpu.memory_space<semaphore_mem>>) src(%dma_wait3A_54 : memref<128x16xf32, #tpu.memory_space<hbm>>) dst(%arg11 : memref<128x16xf32, #tpu.memory_space<vmem>>)
        tpu.yield
      }) : () -> ()
      %dma_start3A = arith.constant 0 : i32
      %dma_start3A_43 = arith.constant 0 : i32
      %dma_start3A_44 = tpu.memref_slice %arg14[%dma_start3A, %dma_start3A_43] : memref<10000x16xf32, #tpu.memory_space<vmem_shared>> -> memref<10000x16xf32, #tpu.memory_space<vmem_shared>>
      tpu.enqueue_indirect_dma source(%dma_start3A_44 : memref<10000x16xf32, #tpu.memory_space<vmem_shared>>) target(%arg12 : memref<128x16xf32, #tpu.memory_space<vmem>>) offsets(%arg9 : memref<128xi32, #tpu.memory_space<vmem>>) semaphore(%arg15 : memref<!tpu.dma_semaphore, #tpu.memory_space<semaphore_mem>>)
      %dma_wait3A = arith.constant 0 : i32
      %dma_wait3A_45 = arith.constant 0 : i32
      %dma_wait3A_46 = tpu.memref_slice %arg14[%dma_wait3A, %dma_wait3A_45] : memref<10000x16xf32, #tpu.memory_space<vmem_shared>> -> memref<10000x16xf32, #tpu.memory_space<vmem_shared>>
      tpu.wait_indirect_dma semaphore(%arg15 : memref<!tpu.dma_semaphore, #tpu.memory_space<semaphore_mem>>) src(%dma_wait3A_46 : memref<10000x16xf32, #tpu.memory_space<vmem_shared>>) dst(%arg12 : memref<128x16xf32, #tpu.memory_space<vmem>>)
      "tpu.region"() ({
        %run_scoped3A = tpu.sem_alloc : memref<!tpu.dma_semaphore, #tpu.memory_space<semaphore_mem>>
        %dma_start3A_47 = arith.constant 0 : i32
        %dma_start3A_48 = arith.constant 0 : i32
        %dma_start3A_49 = tpu.memref_slice %arg13[%dma_start3A_47, %dma_start3A_48] : memref<10000x16xf32, #tpu.memory_space<vmem_shared>> -> memref<10000x16xf32, #tpu.memory_space<vmem_shared>>
        tpu.enqueue_indirect_dma source(%arg11 : memref<128x16xf32, #tpu.memory_space<vmem>>) target(%dma_start3A_49 : memref<10000x16xf32, #tpu.memory_space<vmem_shared>>) offsets(%arg10 : memref<128xi32, #tpu.memory_space<vmem>>) semaphore(%run_scoped3A : memref<!tpu.dma_semaphore, #tpu.memory_space<semaphore_mem>>) {add = true}
        %dma_wait3A_50 = arith.constant 0 : i32
        %dma_wait3A_51 = arith.constant 0 : i32
        %dma_wait3A_52 = tpu.memref_slice %arg13[%dma_wait3A_50, %dma_wait3A_51] : memref<10000x16xf32, #tpu.memory_space<vmem_shared>> -> memref<10000x16xf32, #tpu.memory_space<vmem_shared>>
        tpu.wait_indirect_dma semaphore(%run_scoped3A : memref<!tpu.dma_semaphore, #tpu.memory_space<semaphore_mem>>) src(%arg11 : memref<128x16xf32, #tpu.memory_space<vmem>>) dst(%dma_wait3A_52 : memref<10000x16xf32, #tpu.memory_space<vmem_shared>>)
        tpu.yield
      }) : () -> ()
      "tpu.region"() ({
        %run_scoped3A = tpu.sem_alloc : memref<!tpu.dma_semaphore, #tpu.memory_space<semaphore_mem>>
        %dma_start3A_47 = arith.constant 0 : i32
        %dma_start3A_48 = arith.constant 0 : i32
        %dma_start3A_49 = tpu.memref_slice %arg13[%dma_start3A_47, %dma_start3A_48] : memref<10000x16xf32, #tpu.memory_space<vmem_shared>> -> memref<10000x16xf32, #tpu.memory_space<vmem_shared>>
        tpu.enqueue_indirect_dma source(%arg12 : memref<128x16xf32, #tpu.memory_space<vmem>>) target(%dma_start3A_49 : memref<10000x16xf32, #tpu.memory_space<vmem_shared>>) offsets(%arg10 : memref<128xi32, #tpu.memory_space<vmem>>) semaphore(%run_scoped3A : memref<!tpu.dma_semaphore, #tpu.memory_space<semaphore_mem>>) {add = true}
        %dma_wait3A_50 = arith.constant 0 : i32
        %dma_wait3A_51 = arith.constant 0 : i32
        %dma_wait3A_52 = tpu.memref_slice %arg13[%dma_wait3A_50, %dma_wait3A_51] : memref<10000x16xf32, #tpu.memory_space<vmem_shared>> -> memref<10000x16xf32, #tpu.memory_space<vmem_shared>>
        tpu.wait_indirect_dma semaphore(%run_scoped3A : memref<!tpu.dma_semaphore, #tpu.memory_space<semaphore_mem>>) src(%arg12 : memref<128x16xf32, #tpu.memory_space<vmem>>) dst(%dma_wait3A_52 : memref<10000x16xf32, #tpu.memory_space<vmem_shared>>)
        tpu.yield
      }) : () -> ()
    }
    %barrier3A_21 = arith.constant 0 : index
    tpu.barrier barrier_id(%barrier3A_21)
    %eq3A_22 = arith.constant 0 : i32
    %eq3A_23 = arith.cmpi eq, %arg1, %eq3A_22 : i32
    %eq3A_24 = arith.constant 0 : i32
    %eq3A_25 = arith.cmpi eq, %arg0, %eq3A_24 : i32
    %and3A = arith.andi %eq3A_23, %eq3A_25 : i1
    %convert_element_type3A_26 = arith.extui %and3A : i1 to i32
    %cond3A_27 = arith.constant 0 : i32
    %cond3A_28 = arith.cmpi ne, %convert_element_type3A_26, %cond3A_27 : i32
    scf.if %cond3A_28 {
      "tpu.region"() ({
        %run_scoped3A = tpu.sem_alloc : memref<!tpu.dma_semaphore, #tpu.memory_space<semaphore_mem>>
        tpu.enqueue_dma source(%arg13 : memref<10000x16xf32, #tpu.memory_space<vmem_shared>>) target(%arg7 : memref<10000x16xf32, #tpu.memory_space<hbm>>) target_semaphore(%run_scoped3A : memref<!tpu.dma_semaphore, #tpu.memory_space<semaphore_mem>>)
        tpu.wait_dma2 semaphore(%run_scoped3A : memref<!tpu.dma_semaphore, #tpu.memory_space<semaphore_mem>>) src(%arg13 : memref<10000x16xf32, #tpu.memory_space<vmem_shared>>) dst(%arg7 : memref<10000x16xf32, #tpu.memory_space<hbm>>)
        tpu.yield
      }) : () -> ()
    } else {
    }
    %eq3A_29 = arith.constant 0 : i32
    %eq3A_30 = arith.cmpi eq, %arg1, %eq3A_29 : i32
    %eq3A_31 = arith.constant 1 : i32
    %eq3A_32 = arith.cmpi eq, %arg0, %eq3A_31 : i32
    %and3A_33 = arith.andi %eq3A_30, %eq3A_32 : i1
    %convert_element_type3A_34 = arith.extui %and3A_33 : i1 to i32
    %cond3A_35 = arith.constant 0 : i32
    %cond3A_36 = arith.cmpi ne, %convert_element_type3A_34, %cond3A_35 : i32
    scf.if %cond3A_36 {
      "tpu.region"() ({
        %run_scoped3A = tpu.sem_alloc : memref<!tpu.dma_semaphore, #tpu.memory_space<semaphore_mem>>
        tpu.enqueue_dma source(%arg13 : memref<10000x16xf32, #tpu.memory_space<vmem_shared>>) target(%arg8 : memref<10000x16xf32, #tpu.memory_space<hbm>>) target_semaphore(%run_scoped3A : memref<!tpu.dma_semaphore, #tpu.memory_space<semaphore_mem>>)
        tpu.wait_dma2 semaphore(%run_scoped3A : memref<!tpu.dma_semaphore, #tpu.memory_space<semaphore_mem>>) src(%arg13 : memref<10000x16xf32, #tpu.memory_space<vmem_shared>>) dst(%arg8 : memref<10000x16xf32, #tpu.memory_space<hbm>>)
        tpu.yield
      }) : () -> ()
    } else {
    }
    return
  }
}

module attributes {stable_mosaic.version = 14 : i64} {
  func.func @_front0_body(%arg0: i32, %arg1: memref<1000x16xf32, #tpu.memory_space<vmem>>, %arg2: memref<1000x16xf32, #tpu.memory_space<vmem>>, %arg3: memref<1000x1xf32, #tpu.memory_space<vmem>>, %arg4: memref<1x16xf32, #tpu.memory_space<vmem>>, %arg5: memref<2x128xf32, #tpu.memory_space<vmem>>, %arg6: memref<9x128xf32, #tpu.memory_space<vmem>>, %arg7: memref<1x128xf32, #tpu.memory_space<vmem>>, %arg8: memref<256x256xf32, #tpu.memory_space<vmem>>, %arg9: memref<1x256xf32, #tpu.memory_space<vmem>>, %arg10: memref<1000x256xf32, #tpu.memory_space<vmem>>, %arg11: memref<1000x16xf32, #tpu.memory_space<vmem>>, %arg12: memref<8x256xf32, #tpu.memory_space<vmem>>) attributes {dimension_semantics = [#tpu.dimension_semantics<arbitrary>], iteration_bounds = array<i64: 10>, scalar_prefetch = 0 : i64, scratch_operands = 0 : i64, tpu.core_type = #tpu.core_type<tc>, window_params = [{transform_indices = @transform_0, window_bounds = array<i64: 1000, 16>}, {transform_indices = @transform_1, window_bounds = array<i64: 1000, 16>}, {transform_indices = @transform_2, window_bounds = array<i64: 1000, 1>}, {pipeline_mode = #tpu.pipeline_mode<synchronous>, transform_indices = @transform_3, window_bounds = array<i64: 1, 16>}, {pipeline_mode = #tpu.pipeline_mode<synchronous>, transform_indices = @transform_4, window_bounds = array<i64: 2, 128>}, {pipeline_mode = #tpu.pipeline_mode<synchronous>, transform_indices = @transform_5, window_bounds = array<i64: 9, 128>}, {pipeline_mode = #tpu.pipeline_mode<synchronous>, transform_indices = @transform_6, window_bounds = array<i64: 1, 128>}, {pipeline_mode = #tpu.pipeline_mode<synchronous>, transform_indices = @transform_7, window_bounds = array<i64: 256, 256>}, {pipeline_mode = #tpu.pipeline_mode<synchronous>, transform_indices = @transform_8, window_bounds = array<i64: 1, 256>}, {transform_indices = @transform_9, window_bounds = array<i64: 1000, 256>}, {transform_indices = @transform_10, window_bounds = array<i64: 1000, 16>}, {pipeline_mode = #tpu.pipeline_mode<synchronous>, transform_indices = @transform_11, window_bounds = array<i64: 8, 256>}]} {
    %get3A = arith.constant 0 : index
    %get3A_0 = arith.constant 0 : index
    %get3A_1 = vector.load %arg1[%get3A, %get3A_0] : memref<1000x16xf32, #tpu.memory_space<vmem>>, vector<1000x16xf32>
    %get3A_2 = arith.constant 0 : index
    %get3A_3 = arith.constant 0 : index
    %get3A_4 = vector.load %arg2[%get3A_2, %get3A_3] : memref<1000x16xf32, #tpu.memory_space<vmem>>, vector<1000x16xf32>
    %add3A = arith.addf %get3A_1, %get3A_4 : vector<1000x16xf32>
    %get3A_5 = arith.constant 0 : index
    %get3A_6 = arith.constant 0 : index
    %get3A_7 = vector.load %arg4[%get3A_5, %get3A_6] : memref<1x16xf32, #tpu.memory_space<vmem>>, vector<1x16xf32>
    %add3A_8 = vector.broadcast %get3A_7 : vector<1x16xf32> to vector<1000x16xf32>
    %add3A_9 = arith.addf %add3A, %add3A_8 : vector<1000x16xf32>
    %swap3A = arith.constant 0 : index
    %swap3A_10 = arith.constant 0 : index
    %swap3A_11 = vector.load %arg11[%swap3A, %swap3A_10] : memref<1000x16xf32, #tpu.memory_space<vmem>>, vector<1000x16xf32>
    tpu.vector_store %arg11[%swap3A, %swap3A_10], %add3A_9 {strides = array<i32>} : memref<1000x16xf32, #tpu.memory_space<vmem>>, vector<1000x16xf32>,
    %get3A_12 = arith.constant 0 : index
    %get3A_13 = arith.constant 0 : index
    %get3A_14 = vector.load %arg8[%get3A_12, %get3A_13] : memref<256x256xf32, #tpu.memory_space<vmem>>, vector<128x256xf32>
    %get3A_15 = arith.constant 128 : index
    %get3A_16 = arith.constant 0 : index
    %get3A_17 = vector.load %arg8[%get3A_15, %get3A_16] : memref<256x256xf32, #tpu.memory_space<vmem>>, vector<128x256xf32>
    %get3A_18 = arith.constant 0 : index
    %get3A_19 = arith.constant 0 : index
    %get3A_20 = vector.load %arg5[%get3A_18, %get3A_19] : memref<2x128xf32, #tpu.memory_space<vmem>>, vector<2x128xf32>
    %dot_general3A = arith.constant dense<0.000000e+00> : vector<2x256xf32>
    %dot_general3A_21 = tpu.matmul %get3A_20, %get3A_14, %dot_general3A {dimension_numbers = #tpu.dot_dimension_numbers<[1], [0], [0], [1], [0, 0, 1, 1], [], []>, transpose_lhs_hint = false} : vector<2x128xf32>, vector<128x256xf32>, vector<2x256xf32> -> vector<2x256xf32>
    %get3A_22 = arith.constant 0 : index
    %get3A_23 = arith.constant 0 : index
    %get3A_24 = vector.load %arg6[%get3A_22, %get3A_23] : memref<9x128xf32, #tpu.memory_space<vmem>>, vector<9x128xf32>
    %dot_general3A_25 = arith.constant dense<0.000000e+00> : vector<9x256xf32>
    %dot_general3A_26 = tpu.matmul %get3A_24, %get3A_17, %dot_general3A_25 {dimension_numbers = #tpu.dot_dimension_numbers<[1], [0], [0], [1], [0, 0, 1, 1], [], []>, transpose_lhs_hint = false} : vector<9x128xf32>, vector<128x256xf32>, vector<9x256xf32> -> vector<9x256xf32>
    %slice3A = vector.extract_strided_slice %dot_general3A_21 {offsets = [1, 0], sizes = [1, 256], strides = [1, 1]} : vector<2x256xf32> to vector<1x256xf32>
    %slice3A_27 = vector.extract_strided_slice %dot_general3A_21 {offsets = [0, 0], sizes = [1, 256], strides = [1, 1]} : vector<2x256xf32> to vector<1x256xf32>
    %sub3A = arith.subf %slice3A, %slice3A_27 : vector<1x256xf32>
    %slice3A_28 = vector.extract_strided_slice %dot_general3A_21 {offsets = [0, 0], sizes = [1, 256], strides = [1, 1]} : vector<2x256xf32> to vector<1x256xf32>
    %get3A_29 = arith.constant 0 : index
    %get3A_30 = arith.constant 0 : index
    %get3A_31 = vector.load %arg7[%get3A_29, %get3A_30] : memref<1x128xf32, #tpu.memory_space<vmem>>, vector<1x128xf32>
    %dot_general3A_32 = arith.constant dense<0.000000e+00> : vector<1x256xf32>
    %dot_general3A_33 = tpu.matmul %get3A_31, %get3A_17, %dot_general3A_32 {dimension_numbers = #tpu.dot_dimension_numbers<[1], [0], [0], [1], [0, 0, 1, 1], [], []>, transpose_lhs_hint = false} : vector<1x128xf32>, vector<128x256xf32>, vector<1x256xf32> -> vector<1x256xf32>
    %add3A_34 = arith.addf %slice3A_28, %dot_general3A_33 : vector<1x256xf32>
    %broadcast_in_dim3A = arith.constant 0.000000e+00 : f32
    %broadcast_in_dim3A_35 = vector.broadcast %broadcast_in_dim3A : f32 to vector<5x256xf32>
    %concatenate3A = tpu.concatenate %dot_general3A_26, %sub3A, %add3A_34, %broadcast_in_dim3A_35 in 0 : vector<9x256xf32>, vector<1x256xf32>, vector<1x256xf32>, vector<5x256xf32> -> vector<16x256xf32>
    %dot_general3A_36 = arith.constant dense<0.000000e+00> : vector<1000x256xf32>
    %dot_general3A_37 = tpu.matmul %add3A_9, %concatenate3A, %dot_general3A_36 {dimension_numbers = #tpu.dot_dimension_numbers<[1], [0], [0], [1], [0, 0, 1, 1], [], []>, transpose_lhs_hint = false} : vector<1000x16xf32>, vector<16x256xf32>, vector<1000x256xf32> -> vector<1000x256xf32>
    %get3A_38 = arith.constant 0 : index
    %get3A_39 = arith.constant 0 : index
    %get3A_40 = vector.load %arg3[%get3A_38, %get3A_39] : memref<1000x1xf32, #tpu.memory_space<vmem>>, vector<1000x1xf32>
    %mul3A = vector.broadcast %get3A_40 : vector<1000x1xf32> to vector<1000x256xf32>
    %mul3A_41 = vector.broadcast %sub3A : vector<1x256xf32> to vector<1000x256xf32>
    %mul3A_42 = arith.mulf %mul3A, %mul3A_41 : vector<1000x256xf32>
    %add3A_43 = arith.addf %dot_general3A_37, %mul3A_42 : vector<1000x256xf32>
    %get3A_44 = arith.constant 0 : index
    %get3A_45 = arith.constant 0 : index
    %get3A_46 = vector.load %arg9[%get3A_44, %get3A_45] : memref<1x256xf32, #tpu.memory_space<vmem>>, vector<1x256xf32>
    %add3A_47 = vector.broadcast %get3A_46 : vector<1x256xf32> to vector<1000x256xf32>
    %add3A_48 = arith.addf %add3A_43, %add3A_47 : vector<1000x256xf32>
    %swap3A_49 = arith.constant 0 : index
    %swap3A_50 = arith.constant 0 : index
    %swap3A_51 = vector.load %arg10[%swap3A_49, %swap3A_50] : memref<1000x256xf32, #tpu.memory_space<vmem>>, vector<1000x256xf32>
    tpu.vector_store %arg10[%swap3A_49, %swap3A_50], %add3A_48 {strides = array<i32>} : memref<1000x256xf32, #tpu.memory_space<vmem>>, vector<1000x256xf32>,
    %eq3A = arith.constant 0 : i32
    %eq3A_52 = arith.cmpi eq, %arg0, %eq3A : i32
    %convert_element_type3A = arith.extui %eq3A_52 : i1 to i32
    %cond3A = arith.constant 0 : i32
    %cond3A_53 = arith.cmpi ne, %convert_element_type3A, %cond3A : i32
    scf.if %cond3A_53 {
      %broadcast_in_dim3A_74 = arith.constant 0.000000e+00 : f32
      %broadcast_in_dim3A_75 = vector.broadcast %broadcast_in_dim3A_74 : f32 to vector<8x256xf32>
      %swap3A_76 = arith.constant 0 : index
      %swap3A_77 = arith.constant 0 : index
      %swap3A_78 = vector.load %arg12[%swap3A_76, %swap3A_77] : memref<8x256xf32, #tpu.memory_space<vmem>>, vector<8x256xf32>
      tpu.vector_store %arg12[%swap3A_76, %swap3A_77], %broadcast_in_dim3A_75 {strides = array<i32>} : memref<8x256xf32, #tpu.memory_space<vmem>>, vector<8x256xf32>,
    } else {
    }
    %get3A_54 = arith.constant 0 : index
    %get3A_55 = arith.constant 0 : index
    %get3A_56 = vector.load %arg12[%get3A_54, %get3A_55] : memref<8x256xf32, #tpu.memory_space<vmem>>, vector<1x256xf32>
    %reduce_sum3A = arith.constant dense<0.000000e+00> : vector<256xf32>
    %reduce_sum3A_57 = vector.multi_reduction <add>, %add3A_48, %reduce_sum3A [0] : vector<1000x256xf32> to vector<256xf32>
    %broadcast_in_dim3A_58 = vector.shape_cast %reduce_sum3A_57 : vector<256xf32> to vector<1x256xf32>
    %add3A_59 = arith.addf %get3A_56, %broadcast_in_dim3A_58 : vector<1x256xf32>
    %swap3A_60 = arith.constant 0 : index
    %swap3A_61 = arith.constant 0 : index
    %swap3A_62 = vector.load %arg12[%swap3A_60, %swap3A_61] : memref<8x256xf32, #tpu.memory_space<vmem>>, vector<1x256xf32>
    tpu.vector_store %arg12[%swap3A_60, %swap3A_61], %add3A_59 {strides = array<i32>} : memref<8x256xf32, #tpu.memory_space<vmem>>, vector<1x256xf32>,
    %get3A_63 = arith.constant 1 : index
    %get3A_64 = arith.constant 0 : index
    %get3A_65 = vector.load %arg12[%get3A_63, %get3A_64] : memref<8x256xf32, #tpu.memory_space<vmem>>, vector<1x256xf32>
    %mul3A_66 = arith.mulf %add3A_48, %add3A_48 : vector<1000x256xf32>
    %reduce_sum3A_67 = arith.constant dense<0.000000e+00> : vector<256xf32>
    %reduce_sum3A_68 = vector.multi_reduction <add>, %mul3A_66, %reduce_sum3A_67 [0] : vector<1000x256xf32> to vector<256xf32>
    %broadcast_in_dim3A_69 = vector.shape_cast %reduce_sum3A_68 : vector<256xf32> to vector<1x256xf32>
    %add3A_70 = arith.addf %get3A_65, %broadcast_in_dim3A_69 : vector<1x256xf32>
    %swap3A_71 = arith.constant 1 : index
    %swap3A_72 = arith.constant 0 : index
    %swap3A_73 = vector.load %arg12[%swap3A_71, %swap3A_72] : memref<8x256xf32, #tpu.memory_space<vmem>>, vector<1x256xf32>
    tpu.vector_store %arg12[%swap3A_71, %swap3A_72], %add3A_70 {strides = array<i32>} : memref<8x256xf32, #tpu.memory_space<vmem>>, vector<1x256xf32>,
    return
  }
  func.func @transform_0(%arg0: i32) -> (i32, i32) {
    %c0_i32 = arith.constant 0 : i32
    %c0_i32_0 = arith.constant 0 : i32
    return %arg0, %c0_i32 : i32, i32
  }
  func.func @transform_1(%arg0: i32) -> (i32, i32) {
    %c0_i32 = arith.constant 0 : i32
    %c0_i32_0 = arith.constant 0 : i32
    return %arg0, %c0_i32 : i32, i32
  }
  func.func @transform_2(%arg0: i32) -> (i32, i32) {
    %c0_i32 = arith.constant 0 : i32
    %c0_i32_0 = arith.constant 0 : i32
    return %arg0, %c0_i32 : i32, i32
  }
  func.func @transform_3(%arg0: i32) -> (i32, i32) {
    %c0_i32 = arith.constant 0 : i32
    %c0_i32_0 = arith.constant 0 : i32
    %c0_i32_1 = arith.constant 0 : i32
    return %c0_i32, %c0_i32_0 : i32, i32
  }
  func.func @transform_4(%arg0: i32) -> (i32, i32) {
    %c0_i32 = arith.constant 0 : i32
    %c0_i32_0 = arith.constant 0 : i32
    %c0_i32_1 = arith.constant 0 : i32
    return %c0_i32, %c0_i32_0 : i32, i32
  }
  func.func @transform_5(%arg0: i32) -> (i32, i32) {
    %c0_i32 = arith.constant 0 : i32
    %c0_i32_0 = arith.constant 0 : i32
    %c0_i32_1 = arith.constant 0 : i32
    return %c0_i32, %c0_i32_0 : i32, i32
  }
  func.func @transform_6(%arg0: i32) -> (i32, i32) {
    %c0_i32 = arith.constant 0 : i32
    %c0_i32_0 = arith.constant 0 : i32
    %c0_i32_1 = arith.constant 0 : i32
    return %c0_i32, %c0_i32_0 : i32, i32
  }
  func.func @transform_7(%arg0: i32) -> (i32, i32) {
    %c0_i32 = arith.constant 0 : i32
    %c0_i32_0 = arith.constant 0 : i32
    %c0_i32_1 = arith.constant 0 : i32
    return %c0_i32, %c0_i32_0 : i32, i32
  }
  func.func @transform_8(%arg0: i32) -> (i32, i32) {
    %c0_i32 = arith.constant 0 : i32
    %c0_i32_0 = arith.constant 0 : i32
    %c0_i32_1 = arith.constant 0 : i32
    return %c0_i32, %c0_i32_0 : i32, i32
  }
  func.func @transform_9(%arg0: i32) -> (i32, i32) {
    %c0_i32 = arith.constant 0 : i32
    %c0_i32_0 = arith.constant 0 : i32
    return %arg0, %c0_i32 : i32, i32
  }
  func.func @transform_10(%arg0: i32) -> (i32, i32) {
    %c0_i32 = arith.constant 0 : i32
    %c0_i32_0 = arith.constant 0 : i32
    return %arg0, %c0_i32 : i32, i32
  }
  func.func @transform_11(%arg0: i32) -> (i32, i32) {
    %c0_i32 = arith.constant 0 : i32
    %c0_i32_0 = arith.constant 0 : i32
    %c0_i32_1 = arith.constant 0 : i32
    return %c0_i32, %c0_i32_0 : i32, i32
  }
}

module attributes {stable_mosaic.version = 14 : i64} {
  func.func @_back_body(%arg0: i32, %arg1: memref<1000x256xf32, #tpu.memory_space<vmem>>, %arg2: memref<8x256xf32, #tpu.memory_space<vmem>>, %arg3: memref<1x256xf32, #tpu.memory_space<vmem>>, %arg4: memref<1x256xf32, #tpu.memory_space<vmem>>, %arg5: memref<256x128xf32, #tpu.memory_space<vmem>>, %arg6: memref<1x128xf32, #tpu.memory_space<vmem>>, %arg7: memref<1000x128xf32, #tpu.memory_space<vmem>>) attributes {dimension_semantics = [#tpu.dimension_semantics<arbitrary>], iteration_bounds = array<i64: 10>, scalar_prefetch = 0 : i64, scratch_operands = 0 : i64, tpu.core_type = #tpu.core_type<tc>, window_params = [{transform_indices = @transform_0, window_bounds = array<i64: 1000, 256>}, {pipeline_mode = #tpu.pipeline_mode<synchronous>, transform_indices = @transform_1, window_bounds = array<i64: 8, 256>}, {pipeline_mode = #tpu.pipeline_mode<synchronous>, transform_indices = @transform_2, window_bounds = array<i64: 1, 256>}, {pipeline_mode = #tpu.pipeline_mode<synchronous>, transform_indices = @transform_3, window_bounds = array<i64: 1, 256>}, {pipeline_mode = #tpu.pipeline_mode<synchronous>, transform_indices = @transform_4, window_bounds = array<i64: 256, 128>}, {pipeline_mode = #tpu.pipeline_mode<synchronous>, transform_indices = @transform_5, window_bounds = array<i64: 1, 128>}, {transform_indices = @transform_6, window_bounds = array<i64: 1000, 128>}]} {
    %get3A = arith.constant 0 : index
    %get3A_0 = arith.constant 0 : index
    %get3A_1 = vector.load %arg2[%get3A, %get3A_0] : memref<8x256xf32, #tpu.memory_space<vmem>>, vector<1x256xf32>
    %mul3A = arith.constant 9.99999974E-5 : f32
    %mul3A_2 = vector.broadcast %mul3A : f32 to vector<1x256xf32>
    %mul3A_3 = arith.mulf %get3A_1, %mul3A_2 : vector<1x256xf32>
    %get3A_4 = arith.constant 1 : index
    %get3A_5 = arith.constant 0 : index
    %get3A_6 = vector.load %arg2[%get3A_4, %get3A_5] : memref<8x256xf32, #tpu.memory_space<vmem>>, vector<1x256xf32>
    %mul3A_7 = arith.constant 9.99999974E-5 : f32
    %mul3A_8 = vector.broadcast %mul3A_7 : f32 to vector<1x256xf32>
    %mul3A_9 = arith.mulf %get3A_6, %mul3A_8 : vector<1x256xf32>
    %mul3A_10 = arith.mulf %mul3A_3, %mul3A_3 : vector<1x256xf32>
    %sub3A = arith.subf %mul3A_9, %mul3A_10 : vector<1x256xf32>
    %add3A = arith.constant 9.99999974E-6 : f32
    %add3A_11 = vector.broadcast %add3A : f32 to vector<1x256xf32>
    %add3A_12 = arith.addf %sub3A, %add3A_11 : vector<1x256xf32>
    %rsqrt3A = math.rsqrt %add3A_12 : vector<1x256xf32>
    %get3A_13 = arith.constant 0 : index
    %get3A_14 = arith.constant 0 : index
    %get3A_15 = vector.load %arg1[%get3A_13, %get3A_14] : memref<1000x256xf32, #tpu.memory_space<vmem>>, vector<1000x256xf32>
    %sub3A_16 = vector.broadcast %mul3A_3 : vector<1x256xf32> to vector<1000x256xf32>
    %sub3A_17 = arith.subf %get3A_15, %sub3A_16 : vector<1000x256xf32>
    %mul3A_18 = vector.broadcast %rsqrt3A : vector<1x256xf32> to vector<1000x256xf32>
    %mul3A_19 = arith.mulf %sub3A_17, %mul3A_18 : vector<1000x256xf32>
    %get3A_20 = arith.constant 0 : index
    %get3A_21 = arith.constant 0 : index
    %get3A_22 = vector.load %arg3[%get3A_20, %get3A_21] : memref<1x256xf32, #tpu.memory_space<vmem>>, vector<1x256xf32>
    %mul3A_23 = vector.broadcast %get3A_22 : vector<1x256xf32> to vector<1000x256xf32>
    %mul3A_24 = arith.mulf %mul3A_19, %mul3A_23 : vector<1000x256xf32>
    %get3A_25 = arith.constant 0 : index
    %get3A_26 = arith.constant 0 : index
    %get3A_27 = vector.load %arg4[%get3A_25, %get3A_26] : memref<1x256xf32, #tpu.memory_space<vmem>>, vector<1x256xf32>
    %add3A_28 = vector.broadcast %get3A_27 : vector<1x256xf32> to vector<1000x256xf32>
    %add3A_29 = arith.addf %mul3A_24, %add3A_28 : vector<1000x256xf32>
    %max3A = arith.constant 0.000000e+00 : f32
    %max3A_30 = vector.broadcast %max3A : f32 to vector<1000x256xf32>
    %max3A_31 = arith.maximumf %add3A_29, %max3A_30 : vector<1000x256xf32>
    %get3A_32 = arith.constant 0 : index
    %get3A_33 = arith.constant 0 : index
    %get3A_34 = vector.load %arg5[%get3A_32, %get3A_33] : memref<256x128xf32, #tpu.memory_space<vmem>>, vector<256x128xf32>
    %dot_general3A = arith.constant dense<0.000000e+00> : vector<1000x128xf32>
    %dot_general3A_35 = tpu.matmul %max3A_31, %get3A_34, %dot_general3A {dimension_numbers = #tpu.dot_dimension_numbers<[1], [0], [0], [1], [0, 0, 1, 1], [], []>, transpose_lhs_hint = false} : vector<1000x256xf32>, vector<256x128xf32>, vector<1000x128xf32> -> vector<1000x128xf32>
    %get3A_36 = arith.constant 0 : index
    %get3A_37 = arith.constant 0 : index
    %get3A_38 = vector.load %arg6[%get3A_36, %get3A_37] : memref<1x128xf32, #tpu.memory_space<vmem>>, vector<1x128xf32>
    %add3A_39 = vector.broadcast %get3A_38 : vector<1x128xf32> to vector<1000x128xf32>
    %add3A_40 = arith.addf %dot_general3A_35, %add3A_39 : vector<1000x128xf32>
    %max3A_41 = arith.constant 0.000000e+00 : f32
    %max3A_42 = vector.broadcast %max3A_41 : f32 to vector<1000x128xf32>
    %max3A_43 = arith.maximumf %add3A_40, %max3A_42 : vector<1000x128xf32>
    %swap3A = arith.constant 0 : index
    %swap3A_44 = arith.constant 0 : index
    %swap3A_45 = vector.load %arg7[%swap3A, %swap3A_44] : memref<1000x128xf32, #tpu.memory_space<vmem>>, vector<1000x128xf32>
    tpu.vector_store %arg7[%swap3A, %swap3A_44], %max3A_43 {strides = array<i32>} : memref<1000x128xf32, #tpu.memory_space<vmem>>, vector<1000x128xf32>,
    return
  }
  func.func @transform_0(%arg0: i32) -> (i32, i32) {
    %c0_i32 = arith.constant 0 : i32
    %c0_i32_0 = arith.constant 0 : i32
    return %arg0, %c0_i32 : i32, i32
  }
  func.func @transform_1(%arg0: i32) -> (i32, i32) {
    %c0_i32 = arith.constant 0 : i32
    %c0_i32_0 = arith.constant 0 : i32
    %c0_i32_1 = arith.constant 0 : i32
    return %c0_i32, %c0_i32_0 : i32, i32
  }
  func.func @transform_2(%arg0: i32) -> (i32, i32) {
    %c0_i32 = arith.constant 0 : i32
    %c0_i32_0 = arith.constant 0 : i32
    %c0_i32_1 = arith.constant 0 : i32
    return %c0_i32, %c0_i32_0 : i32, i32
  }
  func.func @transform_3(%arg0: i32) -> (i32, i32) {
    %c0_i32 = arith.constant 0 : i32
    %c0_i32_0 = arith.constant 0 : i32
    %c0_i32_1 = arith.constant 0 : i32
    return %c0_i32, %c0_i32_0 : i32, i32
  }
  func.func @transform_4(%arg0: i32) -> (i32, i32) {
    %c0_i32 = arith.constant 0 : i32
    %c0_i32_0 = arith.constant 0 : i32
    %c0_i32_1 = arith.constant 0 : i32
    return %c0_i32, %c0_i32_0 : i32, i32
  }
  func.func @transform_5(%arg0: i32) -> (i32, i32) {
    %c0_i32 = arith.constant 0 : i32
    %c0_i32_0 = arith.constant 0 : i32
    %c0_i32_1 = arith.constant 0 : i32
    return %c0_i32, %c0_i32_0 : i32, i32
  }
  func.func @transform_6(%arg0: i32) -> (i32, i32) {
    %c0_i32 = arith.constant 0 : i32
    %c0_i32_0 = arith.constant 0 : i32
    return %arg0, %c0_i32 : i32, i32
  }
}

module attributes {stable_mosaic.version = 14 : i64} {
  func.func @_front1_body(%arg0: i32, %arg1: memref<1000x128xf32, #tpu.memory_space<vmem>>, %arg2: memref<1000x128xf32, #tpu.memory_space<vmem>>, %arg3: memref<1000x128xf32, #tpu.memory_space<vmem>>, %arg4: memref<1000x16xf32, #tpu.memory_space<vmem>>, %arg5: memref<9x128xf32, #tpu.memory_space<vmem>>, %arg6: memref<1x128xf32, #tpu.memory_space<vmem>>, %arg7: memref<256x256xf32, #tpu.memory_space<vmem>>, %arg8: memref<1x256xf32, #tpu.memory_space<vmem>>, %arg9: memref<1000x256xf32, #tpu.memory_space<vmem>>, %arg10: memref<8x256xf32, #tpu.memory_space<vmem>>) attributes {dimension_semantics = [#tpu.dimension_semantics<arbitrary>], iteration_bounds = array<i64: 10>, scalar_prefetch = 0 : i64, scratch_operands = 0 : i64, tpu.core_type = #tpu.core_type<tc>, window_params = [{transform_indices = @transform_0, window_bounds = array<i64: 1000, 128>}, {transform_indices = @transform_1, window_bounds = array<i64: 1000, 128>}, {transform_indices = @transform_2, window_bounds = array<i64: 1000, 128>}, {transform_indices = @transform_3, window_bounds = array<i64: 1000, 16>}, {pipeline_mode = #tpu.pipeline_mode<synchronous>, transform_indices = @transform_4, window_bounds = array<i64: 9, 128>}, {pipeline_mode = #tpu.pipeline_mode<synchronous>, transform_indices = @transform_5, window_bounds = array<i64: 1, 128>}, {pipeline_mode = #tpu.pipeline_mode<synchronous>, transform_indices = @transform_6, window_bounds = array<i64: 256, 256>}, {pipeline_mode = #tpu.pipeline_mode<synchronous>, transform_indices = @transform_7, window_bounds = array<i64: 1, 256>}, {transform_indices = @transform_8, window_bounds = array<i64: 1000, 256>}, {pipeline_mode = #tpu.pipeline_mode<synchronous>, transform_indices = @transform_9, window_bounds = array<i64: 8, 256>}]} {
    %get3A = arith.constant 0 : index
    %get3A_0 = arith.constant 0 : index
    %get3A_1 = vector.load %arg1[%get3A, %get3A_0] : memref<1000x128xf32, #tpu.memory_space<vmem>>, vector<1000x128xf32>
    %get3A_2 = arith.constant 0 : index
    %get3A_3 = arith.constant 0 : index
    %get3A_4 = vector.load %arg2[%get3A_2, %get3A_3] : memref<1000x128xf32, #tpu.memory_space<vmem>>, vector<1000x128xf32>
    %add3A = arith.addf %get3A_1, %get3A_4 : vector<1000x128xf32>
    %get3A_5 = arith.constant 0 : index
    %get3A_6 = arith.constant 0 : index
    %get3A_7 = vector.load %arg3[%get3A_5, %get3A_6] : memref<1000x128xf32, #tpu.memory_space<vmem>>, vector<1000x128xf32>
    %add3A_8 = arith.addf %add3A, %get3A_7 : vector<1000x128xf32>
    %get3A_9 = arith.constant 0 : index
    %get3A_10 = arith.constant 0 : index
    %get3A_11 = vector.load %arg7[%get3A_9, %get3A_10] : memref<256x256xf32, #tpu.memory_space<vmem>>, vector<128x256xf32>
    %get3A_12 = arith.constant 128 : index
    %get3A_13 = arith.constant 0 : index
    %get3A_14 = vector.load %arg7[%get3A_12, %get3A_13] : memref<256x256xf32, #tpu.memory_space<vmem>>, vector<128x256xf32>
    %get3A_15 = arith.constant 0 : index
    %get3A_16 = arith.constant 0 : index
    %get3A_17 = vector.load %arg5[%get3A_15, %get3A_16] : memref<9x128xf32, #tpu.memory_space<vmem>>, vector<9x128xf32>
    %dot_general3A = arith.constant dense<0.000000e+00> : vector<9x256xf32>
    %dot_general3A_18 = tpu.matmul %get3A_17, %get3A_14, %dot_general3A {dimension_numbers = #tpu.dot_dimension_numbers<[1], [0], [0], [1], [0, 0, 1, 1], [], []>, transpose_lhs_hint = false} : vector<9x128xf32>, vector<128x256xf32>, vector<9x256xf32> -> vector<9x256xf32>
    %get3A_19 = arith.constant 0 : index
    %get3A_20 = arith.constant 0 : index
    %get3A_21 = vector.load %arg6[%get3A_19, %get3A_20] : memref<1x128xf32, #tpu.memory_space<vmem>>, vector<1x128xf32>
    %dot_general3A_22 = arith.constant dense<0.000000e+00> : vector<1x256xf32>
    %dot_general3A_23 = tpu.matmul %get3A_21, %get3A_14, %dot_general3A_22 {dimension_numbers = #tpu.dot_dimension_numbers<[1], [0], [0], [1], [0, 0, 1, 1], [], []>, transpose_lhs_hint = false} : vector<1x128xf32>, vector<128x256xf32>, vector<1x256xf32> -> vector<1x256xf32>
    %broadcast_in_dim3A = arith.constant 0.000000e+00 : f32
    %broadcast_in_dim3A_24 = vector.broadcast %broadcast_in_dim3A : f32 to vector<1x256xf32>
    %broadcast_in_dim3A_25 = arith.constant 0.000000e+00 : f32
    %broadcast_in_dim3A_26 = vector.broadcast %broadcast_in_dim3A_25 : f32 to vector<5x256xf32>
    %concatenate3A = tpu.concatenate %dot_general3A_18, %broadcast_in_dim3A_24, %dot_general3A_23, %broadcast_in_dim3A_26 in 0 : vector<9x256xf32>, vector<1x256xf32>, vector<1x256xf32>, vector<5x256xf32> -> vector<16x256xf32>
    %dot_general3A_27 = arith.constant dense<0.000000e+00> : vector<1000x256xf32>
    %dot_general3A_28 = tpu.matmul %add3A_8, %get3A_11, %dot_general3A_27 {dimension_numbers = #tpu.dot_dimension_numbers<[1], [0], [0], [1], [0, 0, 1, 1], [], []>, transpose_lhs_hint = false} : vector<1000x128xf32>, vector<128x256xf32>, vector<1000x256xf32> -> vector<1000x256xf32>
    %get3A_29 = arith.constant 0 : index
    %get3A_30 = arith.constant 0 : index
    %get3A_31 = vector.load %arg4[%get3A_29, %get3A_30] : memref<1000x16xf32, #tpu.memory_space<vmem>>, vector<1000x16xf32>
    %dot_general3A_32 = arith.constant dense<0.000000e+00> : vector<1000x256xf32>
    %dot_general3A_33 = tpu.matmul %get3A_31, %concatenate3A, %dot_general3A_32 {dimension_numbers = #tpu.dot_dimension_numbers<[1], [0], [0], [1], [0, 0, 1, 1], [], []>, transpose_lhs_hint = false} : vector<1000x16xf32>, vector<16x256xf32>, vector<1000x256xf32> -> vector<1000x256xf32>
    %add3A_34 = arith.addf %dot_general3A_28, %dot_general3A_33 : vector<1000x256xf32>
    %get3A_35 = arith.constant 0 : index
    %get3A_36 = arith.constant 0 : index
    %get3A_37 = vector.load %arg8[%get3A_35, %get3A_36] : memref<1x256xf32, #tpu.memory_space<vmem>>, vector<1x256xf32>
    %add3A_38 = vector.broadcast %get3A_37 : vector<1x256xf32> to vector<1000x256xf32>
    %add3A_39 = arith.addf %add3A_34, %add3A_38 : vector<1000x256xf32>
    %swap3A = arith.constant 0 : index
    %swap3A_40 = arith.constant 0 : index
    %swap3A_41 = vector.load %arg9[%swap3A, %swap3A_40] : memref<1000x256xf32, #tpu.memory_space<vmem>>, vector<1000x256xf32>
    tpu.vector_store %arg9[%swap3A, %swap3A_40], %add3A_39 {strides = array<i32>} : memref<1000x256xf32, #tpu.memory_space<vmem>>, vector<1000x256xf32>,
    %eq3A = arith.constant 0 : i32
    %eq3A_42 = arith.cmpi eq, %arg0, %eq3A : i32
    %convert_element_type3A = arith.extui %eq3A_42 : i1 to i32
    %cond3A = arith.constant 0 : i32
    %cond3A_43 = arith.cmpi ne, %convert_element_type3A, %cond3A : i32
    scf.if %cond3A_43 {
      %broadcast_in_dim3A_63 = arith.constant 0.000000e+00 : f32
      %broadcast_in_dim3A_64 = vector.broadcast %broadcast_in_dim3A_63 : f32 to vector<8x256xf32>
      %swap3A_65 = arith.constant 0 : index
      %swap3A_66 = arith.constant 0 : index
      %swap3A_67 = vector.load %arg10[%swap3A_65, %swap3A_66] : memref<8x256xf32, #tpu.memory_space<vmem>>, vector<8x256xf32>
      tpu.vector_store %arg10[%swap3A_65, %swap3A_66], %broadcast_in_dim3A_64 {strides = array<i32>} : memref<8x256xf32, #tpu.memory_space<vmem>>, vector<8x256xf32>,
    } else {
    }
    %get3A_44 = arith.constant 0 : index
    %get3A_45 = arith.constant 0 : index
    %get3A_46 = vector.load %arg10[%get3A_44, %get3A_45] : memref<8x256xf32, #tpu.memory_space<vmem>>, vector<1x256xf32>
    %reduce_sum3A = arith.constant dense<0.000000e+00> : vector<256xf32>
    %reduce_sum3A_47 = vector.multi_reduction <add>, %add3A_39, %reduce_sum3A [0] : vector<1000x256xf32> to vector<256xf32>
    %broadcast_in_dim3A_48 = vector.shape_cast %reduce_sum3A_47 : vector<256xf32> to vector<1x256xf32>
    %add3A_49 = arith.addf %get3A_46, %broadcast_in_dim3A_48 : vector<1x256xf32>
    %swap3A_50 = arith.constant 0 : index
    %swap3A_51 = arith.constant 0 : index
    %swap3A_52 = vector.load %arg10[%swap3A_50, %swap3A_51] : memref<8x256xf32, #tpu.memory_space<vmem>>, vector<1x256xf32>
    tpu.vector_store %arg10[%swap3A_50, %swap3A_51], %add3A_49 {strides = array<i32>} : memref<8x256xf32, #tpu.memory_space<vmem>>, vector<1x256xf32>,
    %get3A_53 = arith.constant 1 : index
    %get3A_54 = arith.constant 0 : index
    %get3A_55 = vector.load %arg10[%get3A_53, %get3A_54] : memref<8x256xf32, #tpu.memory_space<vmem>>, vector<1x256xf32>
    %mul3A = arith.mulf %add3A_39, %add3A_39 : vector<1000x256xf32>
    %reduce_sum3A_56 = arith.constant dense<0.000000e+00> : vector<256xf32>
    %reduce_sum3A_57 = vector.multi_reduction <add>, %mul3A, %reduce_sum3A_56 [0] : vector<1000x256xf32> to vector<256xf32>
    %broadcast_in_dim3A_58 = vector.shape_cast %reduce_sum3A_57 : vector<256xf32> to vector<1x256xf32>
    %add3A_59 = arith.addf %get3A_55, %broadcast_in_dim3A_58 : vector<1x256xf32>
    %swap3A_60 = arith.constant 1 : index
    %swap3A_61 = arith.constant 0 : index
    %swap3A_62 = vector.load %arg10[%swap3A_60, %swap3A_61] : memref<8x256xf32, #tpu.memory_space<vmem>>, vector<1x256xf32>
    tpu.vector_store %arg10[%swap3A_60, %swap3A_61], %add3A_59 {strides = array<i32>} : memref<8x256xf32, #tpu.memory_space<vmem>>, vector<1x256xf32>,
    return
  }
  func.func @transform_0(%arg0: i32) -> (i32, i32) {
    %c0_i32 = arith.constant 0 : i32
    %c0_i32_0 = arith.constant 0 : i32
    return %arg0, %c0_i32 : i32, i32
  }
  func.func @transform_1(%arg0: i32) -> (i32, i32) {
    %c0_i32 = arith.constant 0 : i32
    %c0_i32_0 = arith.constant 0 : i32
    return %arg0, %c0_i32 : i32, i32
  }
  func.func @transform_2(%arg0: i32) -> (i32, i32) {
    %c0_i32 = arith.constant 0 : i32
    %c0_i32_0 = arith.constant 0 : i32
    return %arg0, %c0_i32 : i32, i32
  }
  func.func @transform_3(%arg0: i32) -> (i32, i32) {
    %c0_i32 = arith.constant 0 : i32
    %c0_i32_0 = arith.constant 0 : i32
    return %arg0, %c0_i32 : i32, i32
  }
  func.func @transform_4(%arg0: i32) -> (i32, i32) {
    %c0_i32 = arith.constant 0 : i32
    %c0_i32_0 = arith.constant 0 : i32
    %c0_i32_1 = arith.constant 0 : i32
    return %c0_i32, %c0_i32_0 : i32, i32
  }
  func.func @transform_5(%arg0: i32) -> (i32, i32) {
    %c0_i32 = arith.constant 0 : i32
    %c0_i32_0 = arith.constant 0 : i32
    %c0_i32_1 = arith.constant 0 : i32
    return %c0_i32, %c0_i32_0 : i32, i32
  }
  func.func @transform_6(%arg0: i32) -> (i32, i32) {
    %c0_i32 = arith.constant 0 : i32
    %c0_i32_0 = arith.constant 0 : i32
    %c0_i32_1 = arith.constant 0 : i32
    return %c0_i32, %c0_i32_0 : i32, i32
  }
  func.func @transform_7(%arg0: i32) -> (i32, i32) {
    %c0_i32 = arith.constant 0 : i32
    %c0_i32_0 = arith.constant 0 : i32
    %c0_i32_1 = arith.constant 0 : i32
    return %c0_i32, %c0_i32_0 : i32, i32
  }
  func.func @transform_8(%arg0: i32) -> (i32, i32) {
    %c0_i32 = arith.constant 0 : i32
    %c0_i32_0 = arith.constant 0 : i32
    return %arg0, %c0_i32 : i32, i32
  }
  func.func @transform_9(%arg0: i32) -> (i32, i32) {
    %c0_i32 = arith.constant 0 : i32
    %c0_i32_0 = arith.constant 0 : i32
    %c0_i32_1 = arith.constant 0 : i32
    return %c0_i32, %c0_i32_0 : i32, i32
  }
}

module attributes {stable_mosaic.version = 14 : i64} {
  func.func @_back_body(%arg0: i32, %arg1: memref<1000x256xf32, #tpu.memory_space<vmem>>, %arg2: memref<8x256xf32, #tpu.memory_space<vmem>>, %arg3: memref<1x256xf32, #tpu.memory_space<vmem>>, %arg4: memref<1x256xf32, #tpu.memory_space<vmem>>, %arg5: memref<256x128xf32, #tpu.memory_space<vmem>>, %arg6: memref<1x128xf32, #tpu.memory_space<vmem>>, %arg7: memref<1000x128xf32, #tpu.memory_space<vmem>>) attributes {dimension_semantics = [#tpu.dimension_semantics<arbitrary>], iteration_bounds = array<i64: 10>, scalar_prefetch = 0 : i64, scratch_operands = 0 : i64, tpu.core_type = #tpu.core_type<tc>, window_params = [{transform_indices = @transform_0, window_bounds = array<i64: 1000, 256>}, {pipeline_mode = #tpu.pipeline_mode<synchronous>, transform_indices = @transform_1, window_bounds = array<i64: 8, 256>}, {pipeline_mode = #tpu.pipeline_mode<synchronous>, transform_indices = @transform_2, window_bounds = array<i64: 1, 256>}, {pipeline_mode = #tpu.pipeline_mode<synchronous>, transform_indices = @transform_3, window_bounds = array<i64: 1, 256>}, {pipeline_mode = #tpu.pipeline_mode<synchronous>, transform_indices = @transform_4, window_bounds = array<i64: 256, 128>}, {pipeline_mode = #tpu.pipeline_mode<synchronous>, transform_indices = @transform_5, window_bounds = array<i64: 1, 128>}, {transform_indices = @transform_6, window_bounds = array<i64: 1000, 128>}]} {
    %get3A = arith.constant 0 : index
    %get3A_0 = arith.constant 0 : index
    %get3A_1 = vector.load %arg2[%get3A, %get3A_0] : memref<8x256xf32, #tpu.memory_space<vmem>>, vector<1x256xf32>
    %mul3A = arith.constant 9.99999974E-5 : f32
    %mul3A_2 = vector.broadcast %mul3A : f32 to vector<1x256xf32>
    %mul3A_3 = arith.mulf %get3A_1, %mul3A_2 : vector<1x256xf32>
    %get3A_4 = arith.constant 1 : index
    %get3A_5 = arith.constant 0 : index
    %get3A_6 = vector.load %arg2[%get3A_4, %get3A_5] : memref<8x256xf32, #tpu.memory_space<vmem>>, vector<1x256xf32>
    %mul3A_7 = arith.constant 9.99999974E-5 : f32
    %mul3A_8 = vector.broadcast %mul3A_7 : f32 to vector<1x256xf32>
    %mul3A_9 = arith.mulf %get3A_6, %mul3A_8 : vector<1x256xf32>
    %mul3A_10 = arith.mulf %mul3A_3, %mul3A_3 : vector<1x256xf32>
    %sub3A = arith.subf %mul3A_9, %mul3A_10 : vector<1x256xf32>
    %add3A = arith.constant 9.99999974E-6 : f32
    %add3A_11 = vector.broadcast %add3A : f32 to vector<1x256xf32>
    %add3A_12 = arith.addf %sub3A, %add3A_11 : vector<1x256xf32>
    %rsqrt3A = math.rsqrt %add3A_12 : vector<1x256xf32>
    %get3A_13 = arith.constant 0 : index
    %get3A_14 = arith.constant 0 : index
    %get3A_15 = vector.load %arg1[%get3A_13, %get3A_14] : memref<1000x256xf32, #tpu.memory_space<vmem>>, vector<1000x256xf32>
    %sub3A_16 = vector.broadcast %mul3A_3 : vector<1x256xf32> to vector<1000x256xf32>
    %sub3A_17 = arith.subf %get3A_15, %sub3A_16 : vector<1000x256xf32>
    %mul3A_18 = vector.broadcast %rsqrt3A : vector<1x256xf32> to vector<1000x256xf32>
    %mul3A_19 = arith.mulf %sub3A_17, %mul3A_18 : vector<1000x256xf32>
    %get3A_20 = arith.constant 0 : index
    %get3A_21 = arith.constant 0 : index
    %get3A_22 = vector.load %arg3[%get3A_20, %get3A_21] : memref<1x256xf32, #tpu.memory_space<vmem>>, vector<1x256xf32>
    %mul3A_23 = vector.broadcast %get3A_22 : vector<1x256xf32> to vector<1000x256xf32>
    %mul3A_24 = arith.mulf %mul3A_19, %mul3A_23 : vector<1000x256xf32>
    %get3A_25 = arith.constant 0 : index
    %get3A_26 = arith.constant 0 : index
    %get3A_27 = vector.load %arg4[%get3A_25, %get3A_26] : memref<1x256xf32, #tpu.memory_space<vmem>>, vector<1x256xf32>
    %add3A_28 = vector.broadcast %get3A_27 : vector<1x256xf32> to vector<1000x256xf32>
    %add3A_29 = arith.addf %mul3A_24, %add3A_28 : vector<1000x256xf32>
    %max3A = arith.constant 0.000000e+00 : f32
    %max3A_30 = vector.broadcast %max3A : f32 to vector<1000x256xf32>
    %max3A_31 = arith.maximumf %add3A_29, %max3A_30 : vector<1000x256xf32>
    %get3A_32 = arith.constant 0 : index
    %get3A_33 = arith.constant 0 : index
    %get3A_34 = vector.load %arg5[%get3A_32, %get3A_33] : memref<256x128xf32, #tpu.memory_space<vmem>>, vector<256x128xf32>
    %dot_general3A = arith.constant dense<0.000000e+00> : vector<1000x128xf32>
    %dot_general3A_35 = tpu.matmul %max3A_31, %get3A_34, %dot_general3A {dimension_numbers = #tpu.dot_dimension_numbers<[1], [0], [0], [1], [0, 0, 1, 1], [], []>, transpose_lhs_hint = false} : vector<1000x256xf32>, vector<256x128xf32>, vector<1000x128xf32> -> vector<1000x128xf32>
    %get3A_36 = arith.constant 0 : index
    %get3A_37 = arith.constant 0 : index
    %get3A_38 = vector.load %arg6[%get3A_36, %get3A_37] : memref<1x128xf32, #tpu.memory_space<vmem>>, vector<1x128xf32>
    %add3A_39 = vector.broadcast %get3A_38 : vector<1x128xf32> to vector<1000x128xf32>
    %add3A_40 = arith.addf %dot_general3A_35, %add3A_39 : vector<1000x128xf32>
    %swap3A = arith.constant 0 : index
    %swap3A_41 = arith.constant 0 : index
    %swap3A_42 = vector.load %arg7[%swap3A, %swap3A_41] : memref<1000x128xf32, #tpu.memory_space<vmem>>, vector<1000x128xf32>
    tpu.vector_store %arg7[%swap3A, %swap3A_41], %add3A_40 {strides = array<i32>} : memref<1000x128xf32, #tpu.memory_space<vmem>>, vector<1000x128xf32>,
    return
  }
  func.func @transform_0(%arg0: i32) -> (i32, i32) {
    %c0_i32 = arith.constant 0 : i32
    %c0_i32_0 = arith.constant 0 : i32
    return %arg0, %c0_i32 : i32, i32
  }
  func.func @transform_1(%arg0: i32) -> (i32, i32) {
    %c0_i32 = arith.constant 0 : i32
    %c0_i32_0 = arith.constant 0 : i32
    %c0_i32_1 = arith.constant 0 : i32
    return %c0_i32, %c0_i32_0 : i32, i32
  }
  func.func @transform_2(%arg0: i32) -> (i32, i32) {
    %c0_i32 = arith.constant 0 : i32
    %c0_i32_0 = arith.constant 0 : i32
    %c0_i32_1 = arith.constant 0 : i32
    return %c0_i32, %c0_i32_0 : i32, i32
  }
  func.func @transform_3(%arg0: i32) -> (i32, i32) {
    %c0_i32 = arith.constant 0 : i32
    %c0_i32_0 = arith.constant 0 : i32
    %c0_i32_1 = arith.constant 0 : i32
    return %c0_i32, %c0_i32_0 : i32, i32
  }
  func.func @transform_4(%arg0: i32) -> (i32, i32) {
    %c0_i32 = arith.constant 0 : i32
    %c0_i32_0 = arith.constant 0 : i32
    %c0_i32_1 = arith.constant 0 : i32
    return %c0_i32, %c0_i32_0 : i32, i32
  }
  func.func @transform_5(%arg0: i32) -> (i32, i32) {
    %c0_i32 = arith.constant 0 : i32
    %c0_i32_0 = arith.constant 0 : i32
    %c0_i32_1 = arith.constant 0 : i32
    return %c0_i32, %c0_i32_0 : i32, i32
  }
  func.func @transform_6(%arg0: i32) -> (i32, i32) {
    %c0_i32 = arith.constant 0 : i32
    %c0_i32_0 = arith.constant 0 : i32
    return %arg0, %c0_i32 : i32, i32
  }
}

</mosaic_0001>

<sc_bundles>
// kernel: kernel.11.cloned.1.call-start
scs
__scs_entry_jumppad:
0x0: {  	(pc) =	sbr.rel $0x88, $3  }
0x1: {  	(tag) =	ssettag $0x0;
	lr =	simm.s32 $0x1  }
0x2: {  	[smem:$0x3F8B] =	sst lr;
	_ =	strace $0xD0000000  }
0x3: {  	_ = 	snop  }
0x4: {  	_ = 	snop  }
0x5: {  	_ = 	snop  }
0x6: {  	_ = 	snop  }
0x7: {  	_ = 	snop  }
__scs_overlays_trampoline_lowered:
0x8: {  	[smem:$0x3F9A] =	sst s0  }
0x9: {  	[smem:$0x3F9B] =	sst s1  }
0xa: {  	[smem:$0x3F9C] =	sst s2  }
0xb: {  	[smem:$0x3F9D] =	sst s3  }
0xc: {  	[smem:$0x3F9E] =	sst s4  }
0xd: {  	[smem:$0x3F9F] =	sst s5  }
0xe: {  	[smem:$0x3FA0] =	sst s6  }
0xf: {  	[smem:$0x3FA1] =	sst s7  }
0x10: {  	[smem:$0x3FA2] =	sst s8  }
0x11: {  	[smem:$0x3FA3] =	sst s9;
	s0 =	simm.s32 @!p0 $0x0  }
0x12: {  	s1 =	sld [smem:$0x3F89];
	s0 =	simm.s32 @p0 $0x1  }
0x13: {  	[smem:$0x3FA4] =	sst s0;
	s0 =	simm.s32 @!p1 $0x0  }
0x14: {  	s2 =	sld [smem:$0x3F88];
	s0 =	simm.s32 @p1 $0x1  }
0x15: {  	[smem:$0x3FA5] =	sst s0;
	s0 =	simm.s32 @!p2 $0x0  }
0x16: {  	s3 =	sld [smem:$0x3FDB];
	s0 =	simm.s32 @p2 $0x1  }
0x17: {  	s4 =	simm.s32 $0x1BF5;
	[smem:$0x3FA7] =	sst s0  }
0x18: {  	s0 =	sld [smem:$0x3F8A];
	_ =	swait.ge [sflag:s4], $0x0  }
0x19: {  	s7 =	sld [smem:$0x3F8B]  }
0x1a: {  	s8 =	sadd.s32 $0xFFFFE003, lr  }
0x1b: {  	s9 =	sadd.s32 $0xFFFFFEF7, lr;
	s5 =	simm.s32 $0xFFFFFFFF;
	p2 =	slt.u32 s8, $0xFFFFF086  }
0x1c: {  	p1 =	slt.u32 s9, $0xF7A;
	s5 =	simm.s32 @!p2 $0x0  }
0x1d: {  	s5 =	simm.s32 @p1 $0x1;
	p0 =	seq.s32 s7, s2  }
0x1e: {  	s7 =	smul.u32 @!p0 $0xF7A, s2;
	p2 =	seq.s32 @!p0 s5, $0x0  }
0x1f: {  	s9 =	smul.u32 $0xF7A, s1;
	s8 =	simm.s32 @!p0 $0x1BF5;
	p2 =	por !p2, p0  }
0x20: {  	[sflag:s8] =	ssyncset.s32 @!p0 $0xFFFFF086;
	s6 =	sadd.s32 @!p0 s3, s7;
	s7 =	simm.s32 @!p0 $0x108  }
0x21: {  	s3 =	sadd.s32 s3, s9;
	s6 =	sadd.s32 @!p0 $0x88, s6;
	s7 =	simm.s32 @p2 $0x1082  }
0x22: {  	[simem:s7], [sflag:s8] =	dma.local @!p0 [hbm:s6], $0xF7A  }
0x23: {  	s9 =	sor.u32 $0xD0000000, s2;
	s6 =	simm.s32 $0x108;
	_ =	swait.ge @!p0 [sflag:s8], $0x0  }
0x24: {  	s3 =	sadd.s32 $0x88, s3;
	s6 =	simm.s32 @!p1 $0x1082;
	[sflag:s4] =	ssyncset.s32 $0xFFFFF086  }
0x25: {  	[simem:s6], [sflag:s4] =	dma.local [hbm:s3], $0xF7A  }
0x26: {  	[smem:$0x3F8B] =	sst s1;
	(tag) =	ssettag s2;
	_ =	strace s9  }
0x27: {  	s1 =	sld [smem:$0x3F9B]  }
0x28: {  	s2 =	sld [smem:$0x3F9C]  }
0x29: {  	s4 =	sld [smem:$0x3F9E]  }
0x2a: {  	p0 =	seq.s32 s5, $0x0;
	s5 =	sld [smem:$0x3F9F]  }
0x2b: {  	s6 =	sld [smem:$0x3FA0]  }
0x2c: {  	s7 =	sld [smem:$0x3FA1]  }
0x2d: {  	s3 =	simm.s32 $0x108;
	s8 =	sld [smem:$0x3FA2]  }
0x2e: {  	s3 =	simm.s32 @!p0 $0x1082;
	s9 =	sld [smem:$0x3FA3]  }
0x2f: {  	lr =	sadd.s32 s0, s3;
	s0 =	sld [smem:$0x3F9A]  }
0x30: {  	s3 =	sld [smem:$0x3F9D]  }
0x31: {  	[smem:$0x3FA6] =	sst s10  }
0x32: {  	s10 =	sld [smem:$0x3FA4];
	_ =	sdelay $0x3  }
0x33: {  	p0 =	seq.s32 s10, $0x1;
	s10 =	sld [smem:$0x3FA6];
	_ =	sdelay $0x3  }
0x34: {  	[smem:$0x3FA6] =	sst s10  }
0x35: {  	s10 =	sld [smem:$0x3FA5];
	_ =	sdelay $0x3  }
0x36: {  	p1 =	seq.s32 s10, $0x1;
	s10 =	sld [smem:$0x3FA6];
	_ =	sdelay $0x3  }
0x37: {  	[smem:$0x3FA6] =	sst s10  }
0x38: {  	s10 =	sld [smem:$0x3FA7]  }
0x39: {  	_ = 	snop;
	(pc) =	sbr.ind lr, $3  }
0x3a: {  	_ = 	snop  }
0x3b: {  	_ = 	snop  }
0x3c: {  	p2 =	seq.s32 s10, $0x1;
	s10 =	sld [smem:$0x3FA6]  }
0x3d: {  	_ =	shalt  }
0x3e: {  	_ =	shalt  }
0x3f: {  	_ =	shalt  }
0x40: {  	_ =	shalt  }
0x41: {  	_ =	shalt  }
0x42: {  	_ =	shalt  }
0x43: {  	_ =	shalt  }
0x44: {  	_ =	shalt  }
0x45: {  	_ =	shalt  }
0x46: {  	_ =	shalt  }
0x47: {  	_ =	shalt  }
0x48: {  	_ =	shalt  }
0x49: {  	_ =	shalt  }
0x4a: {  	_ =	shalt  }
0x4b: {  	_ =	shalt  }
0x4c: {  	_ =	shalt  }
0x4d: {  	_ =	shalt  }
0x4e: {  	_ =	shalt  }
0x4f: {  	_ =	shalt  }
0x50: {  	_ =	shalt  }
0x51: {  	_ =	shalt  }
0x52: {  	_ =	shalt  }
0x53: {  	_ =	shalt  }
0x54: {  	_ =	shalt  }
0x55: {  	_ =	shalt  }
0x56: {  	_ =	shalt  }
0x57: {  	_ =	shalt  }
0x58: {  	_ =	shalt  }
0x59: {  	_ =	shalt  }
0x5a: {  	_ =	shalt  }
0x5b: {  	_ =	shalt  }
0x5c: {  	_ =	shalt  }
0x5d: {  	_ =	shalt  }
0x5e: {  	_ =	shalt  }
0x5f: {  	_ =	shalt  }
0x60: {  	_ =	shalt  }
0x61: {  	_ =	shalt  }
0x62: {  	_ =	shalt  }
0x63: {  	_ =	shalt  }
0x64: {  	_ =	shalt  }
0x65: {  	_ =	shalt  }
0x66: {  	_ =	shalt  }
0x67: {  	_ =	shalt  }
0x68: {  	_ =	shalt  }
0x69: {  	_ =	shalt  }
0x6a: {  	_ =	shalt  }
0x6b: {  	_ =	shalt  }
0x6c: {  	_ =	shalt  }
0x6d: {  	_ =	shalt  }
0x6e: {  	_ =	shalt  }
0x6f: {  	_ =	shalt  }
0x70: {  	_ =	shalt  }
0x71: {  	_ =	shalt  }
0x72: {  	_ =	shalt  }
0x73: {  	_ =	shalt  }
0x74: {  	_ =	shalt  }
0x75: {  	_ =	shalt  }
0x76: {  	_ =	shalt  }
0x77: {  	_ =	shalt  }
0x78: {  	_ =	shalt  }
0x79: {  	_ =	shalt  }
0x7a: {  	_ =	shalt  }
0x7b: {  	_ =	shalt  }
0x7c: {  	_ =	shalt  }
0x7d: {  	_ =	shalt  }
0x7e: {  	_ =	shalt  }
0x7f: {  	_ =	shalt  }
0x80: {  	_ =	shalt  }
0x81: {  	_ =	shalt  }
0x82: {  	_ =	shalt  }
0x83: {  	_ =	shalt  }
0x84: {  	_ =	shalt  }
0x85: {  	_ =	shalt  }
0x86: {  	_ =	shalt  }
0x87: {  	_ =	shalt  }
.Lfunc_end0:
.L_simem_size_0:
called_computation.1_lowered:
.L_overlay_start_0:
0x88: {  	s2 =	sld [smem:$0x3FD9]  }
0x89: {  	s3 =	sld [smem:$0x3FFE];
	_ =	sdelay $0x1  }
0x8a: {  	s1 =	srdreg.scid  }
0x8b: {  	s0 =	sand.u32 $0x1, s1  }
0x8c: {  	s17 =	sshll.u32 s0, $0xA;
	s2 =	sadd.s32 s3, s2  }
0x8d: {  	s2 =	sadd.s32 s2, s17  }
0x8e: {  	[smem:$0x3FB2] =	sst s2  }
0x8f: {  	_ = 	snop  }
0x90: {  	s2 =	sld [smem:$0x3FD0];
	(tm) =	ssettm $0x1  }
0x91: {  	s18 =	sld [smem:$0x3FFB];
	_ =	sdelay $0x3  }
0x92: {  	_ =	strace s18  }
0x93: {  	s3 =	sld [smem:$0x3FFC];
	_ =	sdelay $0x3  }
0x94: {  	_ =	strace s3  }
0x95: {  	s3 =	sld [smem:$0x3FFD];
	_ =	sdelay $0x3  }
0x96: {  	_ =	strace s3  }
0x97: {  	_ =	strace $0x8FFFFFFF  }
0x98: {  	s19 =	sld [smem:$0x3FDB];
	_ =	sdelay $0x1  }
0x99: {  	s4 =	simm.s32 $_scs_section_size  }
0x9a: {  	s5 =	simm.s32 $_size__tile_overlayer_lowered;
	s6 =	simm.s32 $_tile_overlayer_lowered  }
0x9b: {  	s22 =	simm.s32 $0x1BFF;
	s21 =	sshll.u32 s6, $0x1;
	s3 =	sadd.s32 s4, s19  }
0x9c: {  	s7 =	simm.s32 $0x0;
	s20 =	sshll.u32 s5, $0x1;
	s5 =	sadd.s32 s21, s3  }
0x9d: {  	[timem:s7], [sflag:s22] =	dma.local [hbm:s5], s20  }
0x9e: {  	_ =	swait.ge [sflag:s22], s20  }
0x9f: {  	s4 =	ssub.s32 $0x0, s20;
	[sflag:s22] =	ssyncset.done $0x0  }
0xa0: {  	[sflag:s22] =	ssyncadd.s32 s4;
	_ =	sdelay $0x1  }
0xa1: {  	s23 =	simm.s32 $0x1B8B  }
0xa2: {  	_ =	swait.ge [sflag:s23], $0x1  }
0xa3: {  	[sflag:s23] =	ssyncset.done $0x0  }
0xa4: {  	s25 =	simm.s32 $0x1B8E;
	s24 =	sld [smem:$0x3FFE];
	[sflag:s23] =	ssyncadd.s32 $0xFFFFFFFF  }
0xa5: {  	s26 =	simm.s32 $execute0_lowered;
	[smem:$0x3FD2] =	sst s25  }
0xa6: {  	s5 =	sshll.u32 s26, $0x1;
	_ =	strace $0x80000049;
	[dreg:$0x1] =	wrdreg $0xFFFFFFFF  }
0xa7: {  	s28 =	simm.s32 $_size_execute0_lowered;
	s3 =	sadd.s32 s3, s5;
	[dreg:$0x0] =	wrdreg $0x0  }
0xa8: {  	s5 =	sshll.u32 s28, $0x1;
	[dreg:$0x2] =	wrdreg s3  }
0xa9: {  	[dreg:$0x3] =	wrdreg s5  }
0xaa: {  	[dreg:$0x4] =	wrdreg $0xC0  }
0xab: {  	_ =	task [dreg:s7], $0x5FFFF  }
0xac: {  	[dreg:$0x1] =	wrdreg $0xFFFFFFFF  }
0xad: {  	[dreg:$0x0] =	wrdreg $0x60  }
0xae: {  	[dreg:$0x2] =	wrdreg s24  }
0xaf: {  	[dreg:$0x3] =	wrdreg s2  }
0xb0: {  	[dreg:$0x4] =	wrdreg $0x41000  }
0xb1: {  	[dreg:$0x5] =	wrdreg $0x9  }
0xb2: {  	_ =	task.clear_ibuf [dreg:s7], $0x6FFFF;
	_ =	strace $0x90000049  }
0xb3: {  	s29 =	simm.s32 $0x9;
	_ =	strace $0x8000004B  }
0xb4: {  	_ =	swait.ge [sflag:s29], $0x1  }
0xb5: {  	[sflag:s29] =	ssyncadd.s32 $0xFFFFFFFF  }
0xb6: {  	_ =	strace $0x9000004B  }
0xb7: {  	_ =	sfence  }
0xb8: {  	s30 =	sld [smem:$0x0];
	_ =	sdelay $0x2  }
0xb9: {  	s31 =	sshll.u32 s1, $0xD;
	s1 =	sshrl.u32 s1, $0x2  }
0xba: {  	s3 =	sand.u32 $0x4000, s31;
	s1 =	sadd.s32 s1, s30  }
0xbb: {  	s0 =	sor.u32 s3, s0;
	s1 =	sshll.u32 s1, $0x11  }
0xbc: {  	s0 =	sor.u32 s1, s0  }
0xbd: {  	s0 =	sadd.s32 $0x8F2B, s0  }
0xbe: {  	[sflag:s0] =	ssyncadd.remote.s32 $0x1  }
0xbf: {  	_ =	sfence.sel $0xFFFF  }
0xc0: {  	[dreg:$0x0] =	wrdreg $0xFFFFFFFF;
	(pc) =	sbr.abs _section_cstart, $3  }
0xc1: {  	[dreg:$0x1] =	wrdreg $0xFFFFFFFF  }
0xc2: {  	_ =	task.clear_ibuf [dreg:s7], $0x2FFFF;
	_ =	strace $0x9FFFFFFF  }
0xc3: {  	(tm) =	ssettm $0x7FFFFFFF  }
tec
execute0_lowered:
.L_overlay_start_1:
0x0: {  	(tag) =	ssettag $0x1  }
0x1: {  	s6 =	rddreg [dreg:$0x0]  }
0x2: {  	s1 =	rddreg [dreg:$0x1]  }
0x3: {  	s2 =	rddreg [dreg:$0x2]  }
0x4: {  	s3 =	srdreg.scid;
	s0 =	rddreg [dreg:$0x3]  }
0x5: {  	s14 =	stileid.u32;
	s13 =	simm.s32 $0x80;
	s15 =	simm.s32 $0x1  }
0x6: {  	s19 =	simm.s32 $0x0;
	s8 =	sand.u32 $0x1, s3;
	s3 =	simm.s32 $0x0  }
0x7: {  	s4 =	sshll.u32 s14, $0x8;
	p0 =	seq.s32 s14, $0x0;
	p2 =	slt.u32 s14, $0x2  }
0x8: {  	s5 =	sshll.u32 s8, $0x7;
	[smem:$0x7FF] =	sst s3;
	s7 =	ssub.s32 $0x2, s8  }
0x9: {  	p1 =	seq.s32 s8, $0x1;
	s12 =	sor.u32 s8, s14;
	s4 =	sor.u32 s5, s4  }
0xa: {  	_ =	strace $0x8000004A;
	s5 =	sadd.s32 $0x3D800, s6;
	s9 =	sshrl.u32 s7, $0x1  }
0xb: {  	p0 =	por !p0, !p1;
	s4 =	sshrl.u32 s4, $0x3;
	s9 =	ssub.s32 s7, s9  }
0xc: {  	s7 =	simm.s32 $0x4F;
	p1 =	por !p0, !p0;
	p0 =	sne.s32 s14, $0x0  }
0xd: {  	s10 =	sadd.s32 s4, s6;
	s4 =	sadd.s32 $0x16600, s6;
	s6 =	sadd.s32 $0x64A00, s6  }
0xe: {  	s7 =	simm.s32 @!p2 $0x4E;
	s8 =	smax.u32 s9, $0x1;
	s11 =	sshrl.u32 @!p0 s2, $0x3  }
0xf: {  	p2 =	sne.s32 s12, $0x0;
	s12 =	simm.s32 $0x2;
	s18 =	sshrl.u32 @p1 s2, $0x3  }
0x10: {  	s9 =	sadd.s32 $0x2A00, s10;
	s10 =	sadd.s32 $0xC800, s10;
	s16 =	sshll.u32 @!p2 s14, $0x6  }
0x11: {  	s14 =	simm.s32 $0x100;
	s17 =	sshrl.u32 @!p2 s2, $0x3;
	s16 =	sor.u32 @!p2 $0x1C02, s16  }
.LBB2_1:
0x12: {  	s20 =	simm.s32 @!p0 $0x1C02  }
0x13: {  	[spmem:s11], [sflag:s20] =	dma.local @!p0 [hbm:s4], $0x27100  }
0x14: {  	s20 =	simm.s32 @!p0 $0x2  }
0x15: {  	_ =	swait.ge @!p0 [sflag:s20], $0x27100  }
0x16: {  	[sflag:s20] =	ssyncset.done @!p0 $0x0  }
0x17: {  	[sflag:s20] =	ssyncadd.s32 @!p0 $0xFFFD8F00  }
0x18: {  	[bflag:$0x0] =	sbarrier.arrive $0xFFFF  }
0x19: {  	[tilespmem:s3], [sflag:$0x2] =	stream.linear.gather [hbm4b:s10+s3], $0x80, $0x38;
	[tilespmem:$0x17980] =	vst v63  }
0x1a: {  	_ =	swait.ge [sflag:s12], $0x80  }
0x1b: {  	[sflag:s12] =	ssyncset.done $0x0  }
0x1c: {  	[sflag:s12] =	ssyncadd.s32 $0xFFFFFF80  }
0x1d: {  	[tilespmem:s13], [sflag:$0x2] =	stream.linear.gather [hbm4b:s9+s3], $0x80, $0x38;
	[tilespmem:$0x17980] =	vst v63  }
0x1e: {  	_ =	swait.ge [sflag:s12], $0x80  }
0x1f: {  	[sflag:s12] =	ssyncset.done $0x0  }
0x20: {  	[sflag:s12] =	ssyncadd.s32 $0xFFFFFF80  }
0x21: {  	[tilespmem:s14], [sflag:$0x1] =	stream.indirect.gather [hbm4b:s1+s13], $0x80, s3, s13, $0xb8;
	[tilespmem:$0x17980] =	vst v63  }
0x22: {  	p3 =	sne.s32 s7, $0x1;
	_ =	swait.ge [sflag:s15], $0x4000  }
.Ltmp0:
0x23: {  	[sflag:s15] =	ssyncset.done $0x0;
	(pc) =	sbr.rel @!p3 .LBB2_3-.Ltmp0, $4  }
0x24: {  	[sflag:s15] =	ssyncadd.s32 $0xFFFFC000  }
0x25: {  	[spmem:s2] =	stream.indirect.scatter.add.f32 [tilespmem:s14], [sflag:$0x2], $0x80, s13, s13, $0xb8;
	[tilespmem:$0x17980] =	vst v63  }
0x26: {  	s21 =	smov.u32 s9;
	_ =	swait.ge [sflag:s12], $0x4000  }
0x27: {  	s22 =	smov.u32 s10;
	s20 =	sadd.s32 $0xFFFFFFFF, s7;
	[sflag:s12] =	ssyncset.done $0x0  }
.LBB2_2:
0x28: {  	[sflag:s12] =	ssyncadd.s32 $0xFFFFC000;
	s21 =	sadd.s32 $0x200, s21;
	s22 =	sadd.s32 $0x200, s22  }
0x29: {  	[tilespmem:s3], [sflag:$0x2] =	stream.linear.gather [hbm4b:s22+s3], $0x80, $0x38;
	[tilespmem:$0x17980] =	vst v63  }
0x2a: {  	p3 =	sne.s32 s20, $0x1;
	s20 =	sadd.s32 $0xFFFFFFFF, s20;
	_ =	swait.ge [sflag:s12], $0x80  }
0x2b: {  	[sflag:s12] =	ssyncset.done $0x0  }
0x2c: {  	[sflag:s12] =	ssyncadd.s32 $0xFFFFFF80  }
0x2d: {  	[tilespmem:s13], [sflag:$0x2] =	stream.linear.gather [hbm4b:s21+s3], $0x80, $0x38;
	[tilespmem:$0x17980] =	vst v63  }
0x2e: {  	_ =	swait.ge [sflag:s12], $0x80  }
0x2f: {  	[sflag:s12] =	ssyncset.done $0x0  }
0x30: {  	[sflag:s12] =	ssyncadd.s32 $0xFFFFFF80  }
0x31: {  	[tilespmem:s14], [sflag:$0x1] =	stream.indirect.gather [hbm4b:s1+s13], $0x80, s3, s13, $0xb8;
	[tilespmem:$0x17980] =	vst v63  }
0x32: {  	_ =	swait.ge [sflag:s15], $0x4000  }
.Ltmp1:
0x33: {  	[sflag:s15] =	ssyncset.done $0x0;
	(pc) =	sbr.rel @p3 .LBB2_2-.Ltmp1, $4  }
0x34: {  	[sflag:s15] =	ssyncadd.s32 $0xFFFFC000  }
0x35: {  	[spmem:s2] =	stream.indirect.scatter.add.f32 [tilespmem:s14], [sflag:$0x2], $0x80, s13, s13, $0xb8;
	[tilespmem:$0x17980] =	vst v63  }
0x36: {  	_ =	swait.ge [sflag:s12], $0x4000  }
0x37: {  	[sflag:s12] =	ssyncset.done $0x0  }
.LBB2_3:
0x38: {  	[sflag:s12] =	ssyncadd.s32 $0xFFFFC000  }
0x39: {  	s20 =	simm.s32 @!p2 $0x2;
	[bflag:$0x0] =	sbarrier.arrive $0xFFFF  }
0x3a: {  	[hbm:s5], [sflag:s16] =	dma.local @!p2 [spmem:s17], $0x27100  }
0x3b: {  	_ =	swait.ge @!p2 [sflag:s20], $0x27100  }
0x3c: {  	s19 =	sadd.s32 $0x1, s19;
	[sflag:s20] =	ssyncset.done @!p2 $0x0  }
0x3d: {  	p3 =	sne.s32 s19, s8;
	[sflag:s20] =	ssyncadd.s32 @!p2 $0xFFFD8F00;
	s20 =	simm.s32 @p1 $0x1C02  }
0x3e: {  	[hbm:s6], [sflag:s20] =	dma.local @p1 [spmem:s18], $0x27100  }
.Ltmp2:
0x3f: {  	_ = 	snop;
	(pc) =	sbr.rel @p3 .LBB2_1-.Ltmp2, $4  }
0x40: {  	s20 =	simm.s32 @p1 $0x2  }
0x41: {  	_ =	swait.ge @p1 [sflag:s20], $0x27100  }
0x42: {  	[sflag:s20] =	ssyncset.done @p1 $0x0  }
0x43: {  	[sflag:s20] =	ssyncadd.s32 @p1 $0xFFFD8F00  }
0x44: {  	_ =	sfence.sel $0x180000  }
0x45: {  	[bflag:$0x0] =	sbarrier.arrive $0xFFFF  }
0x46: {  	_ =	strace $0x9000004A  }
0x47: {  	s0 =	sadd.s32 @!p0 $0x100000, s0;
	[bflag:$0x2] =	sbarrier.arrive $0xFFFF  }
0x48: {  	[sflag:s0] =	ssyncadd.tile.s32 @!p0 $0x1;
	_ =	shalt  }
.Lfunc_end2:
_tile_overlayer_lowered:
.L_overlay_start_2:
0x49: {  	(tag) =	ssettag $0x2  }
0x4a: {  	s0 =	rddreg [dreg:$0x0];
	s2 =	stileid.u32  }
0x4b: {  	s1 =	rddreg [dreg:$0x1];
	p0 =	sne.s32 s2, $0x0  }
0x4c: {  	s3 =	rddreg [dreg:$0x2];
	[bflag:$0x3] =	sbarrier.arrive $0xFFFF;
	s2 =	simm.s32 @!p0 $0x1C02  }
0x4d: {  	[timem:s3], [sflag:s2] =	dma.local @!p0 [hbm:s0], s1  }
0x4e: {  	s0 =	simm.s32 @!p0 $0x2  }
0x4f: {  	_ =	swait.ge @!p0 [sflag:s0], s1  }
0x50: {  	s1 =	ssub.s32 @!p0 $0x0, s1;
	[sflag:s0] =	ssyncset.done @!p0 $0x0  }
0x51: {  	[sflag:s0] =	ssyncadd.s32 @!p0 s1  }
0x52: {  	[bflag:$0x3] =	sbarrier.arrive $0xFFFF  }
0x53: {  	_ =	shalt  }

// kernel: kernel.8.cloned.1.call-start
scs
__scs_entry_jumppad:
0x0: {  	(pc) =	sbr.rel $0x88, $3  }
0x1: {  	(tag) =	ssettag $0x0;
	lr =	simm.s32 $0x1  }
0x2: {  	[smem:$0x3F8B] =	sst lr;
	_ =	strace $0xD0000000  }
0x3: {  	_ = 	snop  }
0x4: {  	_ = 	snop  }
0x5: {  	_ = 	snop  }
0x6: {  	_ = 	snop  }
0x7: {  	_ = 	snop  }
__scs_overlays_trampoline_lowered:
0x8: {  	[smem:$0x3F9A] =	sst s0  }
0x9: {  	[smem:$0x3F9B] =	sst s1  }
0xa: {  	[smem:$0x3F9C] =	sst s2  }
0xb: {  	[smem:$0x3F9D] =	sst s3  }
0xc: {  	[smem:$0x3F9E] =	sst s4  }
0xd: {  	[smem:$0x3F9F] =	sst s5  }
0xe: {  	[smem:$0x3FA0] =	sst s6  }
0xf: {  	[smem:$0x3FA1] =	sst s7  }
0x10: {  	[smem:$0x3FA2] =	sst s8  }
0x11: {  	[smem:$0x3FA3] =	sst s9;
	s0 =	simm.s32 @!p0 $0x0  }
0x12: {  	s1 =	sld [smem:$0x3F89];
	s0 =	simm.s32 @p0 $0x1  }
0x13: {  	[smem:$0x3FA4] =	sst s0;
	s0 =	simm.s32 @!p1 $0x0  }
0x14: {  	s2 =	sld [smem:$0x3F88];
	s0 =	simm.s32 @p1 $0x1  }
0x15: {  	[smem:$0x3FA5] =	sst s0;
	s0 =	simm.s32 @!p2 $0x0  }
0x16: {  	s3 =	sld [smem:$0x3FDB];
	s0 =	simm.s32 @p2 $0x1  }
0x17: {  	s4 =	simm.s32 $0x1BF5;
	[smem:$0x3FA7] =	sst s0  }
0x18: {  	s0 =	sld [smem:$0x3F8A];
	_ =	swait.ge [sflag:s4], $0x0  }
0x19: {  	s7 =	sld [smem:$0x3F8B]  }
0x1a: {  	s8 =	sadd.s32 $0xFFFFE003, lr  }
0x1b: {  	s9 =	sadd.s32 $0xFFFFFEF7, lr;
	s5 =	simm.s32 $0xFFFFFFFF;
	p2 =	slt.u32 s8, $0xFFFFF086  }
0x1c: {  	p1 =	slt.u32 s9, $0xF7A;
	s5 =	simm.s32 @!p2 $0x0  }
0x1d: {  	s5 =	simm.s32 @p1 $0x1;
	p0 =	seq.s32 s7, s2  }
0x1e: {  	s7 =	smul.u32 @!p0 $0xF7A, s2;
	p2 =	seq.s32 @!p0 s5, $0x0  }
0x1f: {  	s9 =	smul.u32 $0xF7A, s1;
	s8 =	simm.s32 @!p0 $0x1BF5;
	p2 =	por !p2, p0  }
0x20: {  	[sflag:s8] =	ssyncset.s32 @!p0 $0xFFFFF086;
	s6 =	sadd.s32 @!p0 s3, s7;
	s7 =	simm.s32 @!p0 $0x108  }
0x21: {  	s3 =	sadd.s32 s3, s9;
	s6 =	sadd.s32 @!p0 $0x88, s6;
	s7 =	simm.s32 @p2 $0x1082  }
0x22: {  	[simem:s7], [sflag:s8] =	dma.local @!p0 [hbm:s6], $0xF7A  }
0x23: {  	s9 =	sor.u32 $0xD0000000, s2;
	s6 =	simm.s32 $0x108;
	_ =	swait.ge @!p0 [sflag:s8], $0x0  }
0x24: {  	s3 =	sadd.s32 $0x88, s3;
	s6 =	simm.s32 @!p1 $0x1082;
	[sflag:s4] =	ssyncset.s32 $0xFFFFF086  }
0x25: {  	[simem:s6], [sflag:s4] =	dma.local [hbm:s3], $0xF7A  }
0x26: {  	[smem:$0x3F8B] =	sst s1;
	(tag) =	ssettag s2;
	_ =	strace s9  }
0x27: {  	s1 =	sld [smem:$0x3F9B]  }
0x28: {  	s2 =	sld [smem:$0x3F9C]  }
0x29: {  	s4 =	sld [smem:$0x3F9E]  }
0x2a: {  	p0 =	seq.s32 s5, $0x0;
	s5 =	sld [smem:$0x3F9F]  }
0x2b: {  	s6 =	sld [smem:$0x3FA0]  }
0x2c: {  	s7 =	sld [smem:$0x3FA1]  }
0x2d: {  	s3 =	simm.s32 $0x108;
	s8 =	sld [smem:$0x3FA2]  }
0x2e: {  	s3 =	simm.s32 @!p0 $0x1082;
	s9 =	sld [smem:$0x3FA3]  }
0x2f: {  	lr =	sadd.s32 s0, s3;
	s0 =	sld [smem:$0x3F9A]  }
0x30: {  	s3 =	sld [smem:$0x3F9D]  }
0x31: {  	[smem:$0x3FA6] =	sst s10  }
0x32: {  	s10 =	sld [smem:$0x3FA4];
	_ =	sdelay $0x3  }
0x33: {  	p0 =	seq.s32 s10, $0x1;
	s10 =	sld [smem:$0x3FA6];
	_ =	sdelay $0x3  }
0x34: {  	[smem:$0x3FA6] =	sst s10  }
0x35: {  	s10 =	sld [smem:$0x3FA5];
	_ =	sdelay $0x3  }
0x36: {  	p1 =	seq.s32 s10, $0x1;
	s10 =	sld [smem:$0x3FA6];
	_ =	sdelay $0x3  }
0x37: {  	[smem:$0x3FA6] =	sst s10  }
0x38: {  	s10 =	sld [smem:$0x3FA7]  }
0x39: {  	_ = 	snop;
	(pc) =	sbr.ind lr, $3  }
0x3a: {  	_ = 	snop  }
0x3b: {  	_ = 	snop  }
0x3c: {  	p2 =	seq.s32 s10, $0x1;
	s10 =	sld [smem:$0x3FA6]  }
0x3d: {  	_ =	shalt  }
0x3e: {  	_ =	shalt  }
0x3f: {  	_ =	shalt  }
0x40: {  	_ =	shalt  }
0x41: {  	_ =	shalt  }
0x42: {  	_ =	shalt  }
0x43: {  	_ =	shalt  }
0x44: {  	_ =	shalt  }
0x45: {  	_ =	shalt  }
0x46: {  	_ =	shalt  }
0x47: {  	_ =	shalt  }
0x48: {  	_ =	shalt  }
0x49: {  	_ =	shalt  }
0x4a: {  	_ =	shalt  }
0x4b: {  	_ =	shalt  }
0x4c: {  	_ =	shalt  }
0x4d: {  	_ =	shalt  }
0x4e: {  	_ =	shalt  }
0x4f: {  	_ =	shalt  }
0x50: {  	_ =	shalt  }
0x51: {  	_ =	shalt  }
0x52: {  	_ =	shalt  }
0x53: {  	_ =	shalt  }
0x54: {  	_ =	shalt  }
0x55: {  	_ =	shalt  }
0x56: {  	_ =	shalt  }
0x57: {  	_ =	shalt  }
0x58: {  	_ =	shalt  }
0x59: {  	_ =	shalt  }
0x5a: {  	_ =	shalt  }
0x5b: {  	_ =	shalt  }
0x5c: {  	_ =	shalt  }
0x5d: {  	_ =	shalt  }
0x5e: {  	_ =	shalt  }
0x5f: {  	_ =	shalt  }
0x60: {  	_ =	shalt  }
0x61: {  	_ =	shalt  }
0x62: {  	_ =	shalt  }
0x63: {  	_ =	shalt  }
0x64: {  	_ =	shalt  }
0x65: {  	_ =	shalt  }
0x66: {  	_ =	shalt  }
0x67: {  	_ =	shalt  }
0x68: {  	_ =	shalt  }
0x69: {  	_ =	shalt  }
0x6a: {  	_ =	shalt  }
0x6b: {  	_ =	shalt  }
0x6c: {  	_ =	shalt  }
0x6d: {  	_ =	shalt  }
0x6e: {  	_ =	shalt  }
0x6f: {  	_ =	shalt  }
0x70: {  	_ =	shalt  }
0x71: {  	_ =	shalt  }
0x72: {  	_ =	shalt  }
0x73: {  	_ =	shalt  }
0x74: {  	_ =	shalt  }
0x75: {  	_ =	shalt  }
0x76: {  	_ =	shalt  }
0x77: {  	_ =	shalt  }
0x78: {  	_ =	shalt  }
0x79: {  	_ =	shalt  }
0x7a: {  	_ =	shalt  }
0x7b: {  	_ =	shalt  }
0x7c: {  	_ =	shalt  }
0x7d: {  	_ =	shalt  }
0x7e: {  	_ =	shalt  }
0x7f: {  	_ =	shalt  }
0x80: {  	_ =	shalt  }
0x81: {  	_ =	shalt  }
0x82: {  	_ =	shalt  }
0x83: {  	_ =	shalt  }
0x84: {  	_ =	shalt  }
0x85: {  	_ =	shalt  }
0x86: {  	_ =	shalt  }
0x87: {  	_ =	shalt  }
.Lfunc_end0:
.L_simem_size_0:
called_computation_lowered:
.L_overlay_start_0:
0x88: {  	s2 =	sld [smem:$0x3FD9]  }
0x89: {  	s3 =	sld [smem:$0x3FFE];
	_ =	sdelay $0x1  }
0x8a: {  	s1 =	srdreg.scid  }
0x8b: {  	s0 =	sand.u32 $0x1, s1  }
0x8c: {  	s17 =	sshll.u32 s0, $0xA;
	s2 =	sadd.s32 s3, s2  }
0x8d: {  	s2 =	sadd.s32 s2, s17  }
0x8e: {  	[smem:$0x3FB2] =	sst s2  }
0x8f: {  	_ = 	snop  }
0x90: {  	s2 =	sld [smem:$0x3FD0];
	(tm) =	ssettm $0x1  }
0x91: {  	s18 =	sld [smem:$0x3FFB];
	_ =	sdelay $0x3  }
0x92: {  	_ =	strace s18  }
0x93: {  	s3 =	sld [smem:$0x3FFC];
	_ =	sdelay $0x3  }
0x94: {  	_ =	strace s3  }
0x95: {  	s3 =	sld [smem:$0x3FFD];
	_ =	sdelay $0x3  }
0x96: {  	_ =	strace s3  }
0x97: {  	_ =	strace $0x8FFFFFFF  }
0x98: {  	s19 =	sld [smem:$0x3FDB];
	_ =	sdelay $0x1  }
0x99: {  	s4 =	simm.s32 $_scs_section_size  }
0x9a: {  	s5 =	simm.s32 $_size__tile_overlayer_lowered;
	s6 =	simm.s32 $_tile_overlayer_lowered  }
0x9b: {  	s22 =	simm.s32 $0x1BFF;
	s21 =	sshll.u32 s6, $0x1;
	s3 =	sadd.s32 s4, s19  }
0x9c: {  	s7 =	simm.s32 $0x0;
	s20 =	sshll.u32 s5, $0x1;
	s5 =	sadd.s32 s21, s3  }
0x9d: {  	[timem:s7], [sflag:s22] =	dma.local [hbm:s5], s20  }
0x9e: {  	_ =	swait.ge [sflag:s22], s20  }
0x9f: {  	s4 =	ssub.s32 $0x0, s20;
	[sflag:s22] =	ssyncset.done $0x0  }
0xa0: {  	[sflag:s22] =	ssyncadd.s32 s4;
	_ =	sdelay $0x1  }
0xa1: {  	s23 =	simm.s32 $0x1B8B  }
0xa2: {  	_ =	swait.ge [sflag:s23], $0x1  }
0xa3: {  	[sflag:s23] =	ssyncset.done $0x0  }
0xa4: {  	s25 =	simm.s32 $0x1B8E;
	s24 =	sld [smem:$0x3FFE];
	[sflag:s23] =	ssyncadd.s32 $0xFFFFFFFF  }
0xa5: {  	s26 =	simm.s32 $execute0_lowered;
	[smem:$0x3FD2] =	sst s25  }
0xa6: {  	s5 =	sshll.u32 s26, $0x1;
	_ =	strace $0x80000046;
	[dreg:$0x1] =	wrdreg $0xFFFFFFFF  }
0xa7: {  	s28 =	simm.s32 $_size_execute0_lowered;
	s3 =	sadd.s32 s3, s5;
	[dreg:$0x0] =	wrdreg $0x0  }
0xa8: {  	s5 =	sshll.u32 s28, $0x1;
	[dreg:$0x2] =	wrdreg s3  }
0xa9: {  	[dreg:$0x3] =	wrdreg s5  }
0xaa: {  	[dreg:$0x4] =	wrdreg $0xC0  }
0xab: {  	_ =	task [dreg:s7], $0x5FFFF  }
0xac: {  	[dreg:$0x1] =	wrdreg $0xFFFFFFFF  }
0xad: {  	[dreg:$0x0] =	wrdreg $0x60  }
0xae: {  	[dreg:$0x2] =	wrdreg s24  }
0xaf: {  	[dreg:$0x3] =	wrdreg s2  }
0xb0: {  	[dreg:$0x4] =	wrdreg $0x11000  }
0xb1: {  	[dreg:$0x5] =	wrdreg $0x38100  }
0xb2: {  	[dreg:$0x6] =	wrdreg $0x9  }
0xb3: {  	_ =	task.clear_ibuf [dreg:s7], $0x7FFFF;
	_ =	strace $0x90000046  }
0xb4: {  	s29 =	simm.s32 $0x9;
	_ =	strace $0x80000048  }
0xb5: {  	_ =	swait.ge [sflag:s29], $0x1  }
0xb6: {  	[sflag:s29] =	ssyncadd.s32 $0xFFFFFFFF  }
0xb7: {  	_ =	strace $0x90000048  }
0xb8: {  	_ =	sfence  }
0xb9: {  	s30 =	sld [smem:$0x0];
	_ =	sdelay $0x2  }
0xba: {  	s31 =	sshll.u32 s1, $0xD;
	s1 =	sshrl.u32 s1, $0x2  }
0xbb: {  	s3 =	sand.u32 $0x4000, s31;
	s1 =	sadd.s32 s1, s30  }
0xbc: {  	s0 =	sor.u32 s3, s0;
	s1 =	sshll.u32 s1, $0x11  }
0xbd: {  	s0 =	sor.u32 s1, s0  }
0xbe: {  	s0 =	sadd.s32 $0x8F2B, s0  }
0xbf: {  	[sflag:s0] =	ssyncadd.remote.s32 $0x1  }
0xc0: {  	_ =	sfence.sel $0xFFFF  }
0xc1: {  	[dreg:$0x0] =	wrdreg $0xFFFFFFFF;
	(pc) =	sbr.abs _section_cstart, $3  }
0xc2: {  	[dreg:$0x1] =	wrdreg $0xFFFFFFFF  }
0xc3: {  	_ =	task.clear_ibuf [dreg:s7], $0x2FFFF;
	_ =	strace $0x9FFFFFFF  }
0xc4: {  	(tm) =	ssettm $0x7FFFFFFF  }
0xc5: {  	_ =	shalt  }
tec
execute0_lowered:
.L_overlay_start_1:
0x0: {  	(tag) =	ssettag $0x1  }
0x1: {  	s8 =	rddreg [dreg:$0x0]  }
0x2: {  	s0 =	rddreg [dreg:$0x1];
	s2 =	srdreg.scid  }
0x3: {  	s1 =	rddreg [dreg:$0x2];
	s3 =	stileid.u32  }
0x4: {  	s4 =	rddreg [dreg:$0x3];
	s5 =	simm.s32 $0x0;
	s15 =	simm.s32 $0x1C42  }
0x5: {  	s16 =	simm.s32 $0x2;
	s17 =	simm.s32 $0x80;
	s18 =	simm.s32 $0x100  }
0x6: {  	s19 =	simm.s32 $0x900;
	s20 =	simm.s32 $0x1;
	s22 =	simm.s32 $0x0  }
0x7: {  	s10 =	sand.u32 $0x1, s2;
	s6 =	sshll.u32 s3, $0x8;
	s2 =	rddreg [dreg:$0x4]  }
0x8: {  	[smem:$0x7FF] =	sst s5;
	s30 =	sshll.u32 s3, $0x9;
	p0 =	slt.u32 s3, $0x2  }
0x9: {  	p1 =	seq.s32 s3, $0x0;
	p2 =	sne.s32 s3, $0x0;
	s7 =	sshll.u32 s10, $0x7  }
0xa: {  	_ =	strace $0x80000047;
	s11 =	sadd.s32 s30, s8;
	s9 =	ssub.s32 $0x2, s10  }
0xb: {  	p6 =	seq.s32 s10, $0x1;
	s21 =	sor.u32 s10, s3;
	s14 =	sshll.u32 s10, $0x8  }
0xc: {  	s6 =	sor.u32 s7, s6;
	s7 =	sadd.s32 $0xB7A00, s8;
	s13 =	sshrl.u32 s9, $0x1  }
0xd: {  	s31 =	sadd.s32 s14, s11;
	s14 =	sshrl.u32 s4, $0x3;
	p3 =	sne.s32 s21, $0x0  }
0xe: {  	s21 =	simm.s32 $0x1C02;
	s6 =	sshrl.u32 s6, $0x3;
	s13 =	ssub.s32 s9, s13  }
0xf: {  	s9 =	simm.s32 $0x4F;
	s12 =	sadd.s32 s6, s8;
	s6 =	sadd.s32 $0xB2A00, s8  }
0x10: {  	s8 =	sadd.s32 $0xBCA00, s8;
	s9 =	simm.s32 @!p0 $0x4E;
	p0 =	por !p1, !p6  }
0x11: {  	s10 =	smax.u32 s13, $0x1;
	s13 =	sadd.s32 $0x16600, s31;
	p1 =	seq.s32 s3, $0x1  }
0x12: {  	p0 =	por !p0, !p0;
	s11 =	sadd.s32 $0x2A00, s12;
	s12 =	sadd.s32 $0xC800, s12  }
.LBB2_1:
.Ltmp0:
0x13: {  	(pc) =	sbr.rel @p1 .LBB2_4-.Ltmp0, $1  }
0x14: {  	_ =	sdelay $0x3  }
.Ltmp1:
0x15: {  	(pc) =	sbr.rel @p2 .LBB2_6-.Ltmp1, $1  }
0x16: {  	_ =	sdelay $0x3  }
.Ltmp2:
0x17: {  	(pc) =	sbr.rel .LBB2_5-.Ltmp2, $3  }
0x18: {  	_ =	sdelay $0x1  }
0x19: {  	s23 =	sshrl.u32 s1, $0x3  }
0x1a: {  	[spmem:s23], [sflag:s21] =	dma.local [hbm:s6], $0x4E20  }
.LBB2_4:
0x1b: {  	[spmem:s14], [sflag:s15] =	dma.local [hbm:s0], $0x4E20  }
.LBB2_5:
0x1c: {  	_ =	swait.ge [sflag:s16], $0x4E20  }
0x1d: {  	[sflag:s16] =	ssyncset.done $0x0  }
0x1e: {  	[sflag:s16] =	ssyncadd.s32 $0xFFFFB1E0  }
.LBB2_6:
0x1f: {  	[bflag:$0x0] =	sbarrier.arrive $0xFFFF  }
0x20: {  	[tilespmem:s5], [sflag:$0x2] =	stream.linear.gather [hbm4b:s12+s5], $0x80, $0x38;
	[tilespmem:$0x5F20] =	vst v63  }
0x21: {  	_ =	swait.ge [sflag:s16], $0x80  }
0x22: {  	[sflag:s16] =	ssyncset.done $0x0  }
0x23: {  	[sflag:s16] =	ssyncadd.s32 $0xFFFFFF80  }
0x24: {  	[tilespmem:s17], [sflag:$0x2] =	stream.linear.gather [hbm4b:s11+s5], $0x80, $0x38;
	[tilespmem:$0x5F20] =	vst v63  }
0x25: {  	_ =	swait.ge [sflag:s16], $0x80  }
0x26: {  	[sflag:s16] =	ssyncset.done $0x0  }
0x27: {  	[sflag:s16] =	ssyncadd.s32 $0xFFFFFF80  }
0x28: {  	[tilespmem:s18], [sflag:$0x2] =	stream.linear.gather [hbm4b:s13+s5], $0x800, $0x38;
	[tilespmem:$0x5F20] =	vst v63  }
0x29: {  	_ =	swait.ge [sflag:s16], $0x800  }
0x2a: {  	[sflag:s16] =	ssyncset.done $0x0  }
0x2b: {  	[sflag:s16] =	ssyncadd.s32 $0xFFFFF800  }
0x2c: {  	[tilespmem:s19], [sflag:$0x1] =	stream.indirect.gather [spmem:s4], $0x10, s5, s17, $0xb8;
	[tilespmem:$0x5F20] =	vst v63  }
0x2d: {  	_ =	swait.ge [sflag:s20], $0x800  }
0x2e: {  	[sflag:s20] =	ssyncset.done $0x0  }
0x2f: {  	[sflag:s20] =	ssyncadd.s32 $0xFFFFF800  }
0x30: {  	[spmem:s1] =	stream.indirect.scatter.add.f32 [tilespmem:s18], [sflag:$0x2], $0x10, s17, s17, $0xb8;
	[tilespmem:$0x5F20] =	vst v63  }
0x31: {  	p4 =	sne.s32 s9, $0x1;
	_ =	swait.ge [sflag:s16], $0x800  }
.Ltmp3:
0x32: {  	[sflag:s16] =	ssyncset.done $0x0;
	(pc) =	sbr.rel @!p4 .LBB2_8-.Ltmp3, $4  }
0x33: {  	[sflag:s16] =	ssyncadd.s32 $0xFFFFF800  }
0x34: {  	[spmem:s1] =	stream.indirect.scatter.add.f32 [tilespmem:s19], [sflag:$0x2], $0x10, s17, s17, $0xb8;
	[tilespmem:$0x5F20] =	vst v63  }
0x35: {  	s23 =	sadd.s32 $0xFFFFFFFF, s9;
	s24 =	sadd.s32 $0x2000, s13;
	_ =	swait.ge [sflag:s16], $0x800  }
0x36: {  	s25 =	smov.u32 s11;
	s26 =	smov.u32 s12;
	[sflag:s16] =	ssyncset.done $0x0  }
.LBB2_7:
0x37: {  	[sflag:s16] =	ssyncadd.s32 $0xFFFFF800;
	s25 =	sadd.s32 $0x200, s25;
	s26 =	sadd.s32 $0x200, s26  }
0x38: {  	[tilespmem:s5], [sflag:$0x2] =	stream.linear.gather [hbm4b:s26+s5], $0x80, $0x38;
	[tilespmem:$0x5F20] =	vst v63  }
0x39: {  	p4 =	sne.s32 s23, $0x1;
	s23 =	sadd.s32 $0xFFFFFFFF, s23;
	_ =	swait.ge [sflag:s16], $0x80  }
0x3a: {  	[sflag:s16] =	ssyncset.done $0x0  }
0x3b: {  	[sflag:s16] =	ssyncadd.s32 $0xFFFFFF80  }
0x3c: {  	[tilespmem:s17], [sflag:$0x2] =	stream.linear.gather [hbm4b:s25+s5], $0x80, $0x38;
	[tilespmem:$0x5F20] =	vst v63  }
0x3d: {  	_ =	swait.ge [sflag:s16], $0x80  }
0x3e: {  	[sflag:s16] =	ssyncset.done $0x0  }
0x3f: {  	[sflag:s16] =	ssyncadd.s32 $0xFFFFFF80  }
0x40: {  	[tilespmem:s18], [sflag:$0x2] =	stream.linear.gather [hbm4b:s24+s5], $0x800, $0x38;
	[tilespmem:$0x5F20] =	vst v63  }
0x41: {  	_ =	swait.ge [sflag:s16], $0x800  }
0x42: {  	[sflag:s16] =	ssyncset.done $0x0  }
0x43: {  	[sflag:s16] =	ssyncadd.s32 $0xFFFFF800  }
0x44: {  	[tilespmem:s19], [sflag:$0x1] =	stream.indirect.gather [spmem:s4], $0x10, s5, s17, $0xb8;
	[tilespmem:$0x5F20] =	vst v63  }
0x45: {  	_ =	swait.ge [sflag:s20], $0x800  }
0x46: {  	[sflag:s20] =	ssyncset.done $0x0  }
0x47: {  	[sflag:s20] =	ssyncadd.s32 $0xFFFFF800  }
0x48: {  	[spmem:s1] =	stream.indirect.scatter.add.f32 [tilespmem:s18], [sflag:$0x2], $0x10, s17, s17, $0xb8;
	[tilespmem:$0x5F20] =	vst v63  }
0x49: {  	_ =	swait.ge [sflag:s16], $0x800  }
.Ltmp4:
0x4a: {  	[sflag:s16] =	ssyncset.done $0x0;
	(pc) =	sbr.rel @p4 .LBB2_7-.Ltmp4, $4  }
0x4b: {  	[sflag:s16] =	ssyncadd.s32 $0xFFFFF800  }
0x4c: {  	[spmem:s1] =	stream.indirect.scatter.add.f32 [tilespmem:s19], [sflag:$0x2], $0x10, s17, s17, $0xb8;
	[tilespmem:$0x5F20] =	vst v63  }
0x4d: {  	_ =	swait.ge [sflag:s16], $0x800  }
0x4e: {  	s24 =	sadd.s32 $0x2000, s24;
	[sflag:s16] =	ssyncset.done $0x0  }
.LBB2_8:
0x4f: {  	[sflag:s16] =	ssyncadd.s32 $0xFFFFF800;
	s23 =	sshll.u32 @!p3 s3, $0x6  }
0x50: {  	s24 =	sshrl.u32 @!p3 s1, $0x3;
	[bflag:$0x0] =	sbarrier.arrive $0xFFFF;
	s23 =	sor.u32 @!p3 $0x1C02, s23  }
0x51: {  	[hbm:s7], [sflag:s23] =	dma.local @!p3 [spmem:s24], $0x4E20  }
0x52: {  	s23 =	simm.s32 @!p3 $0x2  }
0x53: {  	s22 =	sadd.s32 $0x1, s22;
	_ =	swait.ge @!p3 [sflag:s23], $0x4E20  }
0x54: {  	p4 =	sne.s32 s22, s10;
	[sflag:s23] =	ssyncset.done @!p3 $0x0  }
0x55: {  	s24 =	simm.s32 @p0 $0x1C02;
	[sflag:s23] =	ssyncadd.s32 @!p3 $0xFFFFB1E0;
	s23 =	sshrl.u32 @p0 s1, $0x3  }
0x56: {  	[hbm:s8], [sflag:s24] =	dma.local @p0 [spmem:s23], $0x4E20  }
.Ltmp5:
0x57: {  	_ = 	snop;
	(pc) =	sbr.rel @p4 .LBB2_1-.Ltmp5, $4  }
0x58: {  	s23 =	simm.s32 @p0 $0x2  }
0x59: {  	_ =	swait.ge @p0 [sflag:s23], $0x4E20  }
0x5a: {  	[sflag:s23] =	ssyncset.done @p0 $0x0  }
0x5b: {  	[sflag:s23] =	ssyncadd.s32 @p0 $0xFFFFB1E0  }
0x5c: {  	_ =	sfence.sel $0x180000  }
0x5d: {  	[bflag:$0x0] =	sbarrier.arrive $0xFFFF  }
0x5e: {  	_ =	strace $0x90000047  }
0x5f: {  	s0 =	sadd.s32 @!p2 $0x100000, s2;
	[bflag:$0x2] =	sbarrier.arrive $0xFFFF  }
0x60: {  	[sflag:s0] =	ssyncadd.tile.s32 @!p2 $0x1;
	_ =	shalt  }
.Lfunc_end2:
_tile_overlayer_lowered:
.L_overlay_start_2:
0x61: {  	(tag) =	ssettag $0x2  }
0x62: {  	s0 =	rddreg [dreg:$0x0];
	s2 =	stileid.u32  }
0x63: {  	s1 =	rddreg [dreg:$0x1];
	p0 =	sne.s32 s2, $0x0  }
0x64: {  	s3 =	rddreg [dreg:$0x2];
	[bflag:$0x3] =	sbarrier.arrive $0xFFFF;
	s2 =	simm.s32 @!p0 $0x1C02  }
0x65: {  	[timem:s3], [sflag:s2] =	dma.local @!p0 [hbm:s0], s1  }
0x66: {  	s0 =	simm.s32 @!p0 $0x2  }
0x67: {  	_ =	swait.ge @!p0 [sflag:s0], s1  }
0x68: {  	s1 =	ssub.s32 @!p0 $0x0, s1;
	[sflag:s0] =	ssyncset.done @!p0 $0x0  }
0x69: {  	[sflag:s0] =	ssyncadd.s32 @!p0 s1  }
0x6a: {  	[bflag:$0x3] =	sbarrier.arrive $0xFFFF  }
0x6b: {  	_ =	shalt  }

</sc_bundles>
